<compile_context>
chip_gen: v7x
topology: tpu7x:2x2x1
jax: 0.10.2.dev20260603
libtpu: 0.0.44.dev20260713+nightly
codegen_flags: <defaults>
</compile_context>

<pallas_src>
import functools

import jax
import jax.numpy as jnp
from jax import lax
from jax.experimental import pallas as pl
from jax.experimental.pallas import tpu as pltpu
from jax.experimental.pallas import tpu_sc as plsc

N = 10000
NPAD = 10112
D = 256
H = 128
NS = 16
CHUNK = 128
NB = 2
NPHASE = 2
ROWS_PER_TILE = NPAD // NS


def _sc_aggregate(x_lo, x_hi, zeros_tile, src4, dst4, nch):
    mesh = plsc.VectorSubcoreMesh(core_axis_name="c", subcore_axis_name="s")

    hc = nch // NPHASE

    @functools.partial(
        pl.kernel,
        out_type=jax.ShapeDtypeStruct((2, NPAD, H), jnp.float32),
        mesh=mesh,
        compiler_params=pltpu.CompilerParams(use_tc_tiling_on_sc=False),
        scratch_types=[
            pltpu.VMEM((hc, CHUNK), jnp.int32),
            pltpu.VMEM((hc, CHUNK), jnp.int32),
            pltpu.VMEM((NB, CHUNK, H), jnp.float32),
            pltpu.VMEM_SHARED((NPAD, H), jnp.float32),
            [pltpu.SemaphoreType.DMA] * NB,
        ],
    )
    def agg_kernel(xlo_hbm, xhi_hbm, zeros_hbm, src_hbm, dst_hbm, out_hbm,
                   src_v, dst_v, rows_v, acc_sh, gsems):
        c = lax.axis_index("c")
        s = lax.axis_index("s")

        def run(xh):
            pltpu.sync_copy(src_hbm.at[s, 0], src_v)
            pltpu.sync_copy(dst_hbm.at[s, 0], dst_v)
            for b in range(NB):
                pltpu.async_copy(xh.at[src_v.at[b]], rows_v.at[b], gsems[b])
            sl = pl.ds(s * ROWS_PER_TILE, ROWS_PER_TILE)
            pltpu.sync_copy(zeros_hbm, acc_sh.at[sl])
            plsc.subcore_barrier()

            for p in range(NPHASE):
                if p > 0:
                    pltpu.sync_copy(src_hbm.at[s, p], src_v)
                    pltpu.sync_copy(dst_hbm.at[s, p], dst_v)
                    for b in range(NB):
                        pltpu.async_copy(xh.at[src_v.at[b]], rows_v.at[b],
                                         gsems[b])

                def group(g, carry):
                    base = g * NB
                    for b in range(NB):
                        j = base + b
                        pltpu.make_async_copy(
                            xh.at[src_v.at[j]], rows_v.at[b], gsems[b]).wait()
                        pltpu.sync_copy(rows_v.at[b], acc_sh.at[dst_v.at[j]],
                                        add=True)

                        @pl.when(j + NB < hc)
                        def _():
                            pltpu.async_copy(xh.at[src_v.at[j + NB]],
                                             rows_v.at[b], gsems[b])
                    return carry

                lax.fori_loop(0, hc // NB, group, 0)
            plsc.subcore_barrier()
            pltpu.sync_copy(acc_sh.at[sl], out_hbm.at[c, sl])

        @pl.when(c == 0)
        def _():
            run(xlo_hbm)

        @pl.when(c == 1)
        def _():
            run(xhi_hbm)

    return agg_kernel(x_lo, x_hi, zeros_tile, src4, dst4)


def _tc_mlp(x, agg2, W1, b1, W2, b2, eps, gamma, beta, mean, var):
    BLK = 1000
    grid = (N // BLK,)

    def body(eps_r, x_r, lo_r, hi_r, W1_r, b1_r, W2_r, b2_r,
             g_r, be_r, mu_r, va_r, o_r):
        pre = jnp.concatenate([lo_r[0], hi_r[0]], axis=1)
        h = pre + (1.0 + eps_r[0]) * x_r[...]
        h = jnp.dot(h, W1_r[...], preferred_element_type=jnp.float32) + b1_r[...]
        h = jnp.maximum(h, 0.0)
        h = jnp.dot(h, W2_r[...], preferred_element_type=jnp.float32) + b2_r[...]
        scale = g_r[...] * lax.rsqrt(va_r[...] + 1e-5)
        o_r[...] = jnp.maximum((h - mu_r[...]) * scale + be_r[...], 0.0)

    row = lambda i: (i, 0)
    fixed = lambda i: (0, 0)
    return pl.pallas_call(
        body,
        grid=grid,
        in_specs=[
            pl.BlockSpec(memory_space=pltpu.SMEM),
            pl.BlockSpec((BLK, D), row),
            pl.BlockSpec((1, BLK, H), lambda i: (0, i, 0)),
            pl.BlockSpec((1, BLK, H), lambda i: (1, i, 0)),
            pl.BlockSpec((D, D), fixed),
            pl.BlockSpec((1, D), fixed),
            pl.BlockSpec((D, D), fixed),
            pl.BlockSpec((1, D), fixed),
            pl.BlockSpec((1, D), fixed),
            pl.BlockSpec((1, D), fixed),
            pl.BlockSpec((1, D), fixed),
            pl.BlockSpec((1, D), fixed),
        ],
        out_specs=pl.BlockSpec((BLK, D), row),
        out_shape=jax.ShapeDtypeStruct((N, D), jnp.float32),
    )(eps.reshape(1), x, agg2, agg2, W1, b1.reshape(1, D),
      W2, b2.reshape(1, D), gamma.reshape(1, D), beta.reshape(1, D),
      mean.reshape(1, D), var.reshape(1, D))


def kernel(x, edge_index, W1, b1, W2, b2, eps, gamma, beta,
           running_mean, running_var):
    E = edge_index.shape[1]
    epad = -E % (NS * CHUNK * NPHASE * NB)
    src = edge_index[0]
    dst = edge_index[1]
    if epad:
        src = jnp.concatenate([src, jnp.zeros((epad,), jnp.int32)])
        dst = jnp.concatenate([dst, jnp.full((epad,), N, jnp.int32)])
    nch = (E + epad) // (NS * CHUNK)
    hc = nch // NPHASE
    src4 = src.reshape(NS, NPHASE, hc, CHUNK)
    dst4 = dst.reshape(NS, NPHASE, hc, CHUNK)
    x_lo = x[:, :H]
    x_hi = x[:, H:]
    zeros_tile = jnp.zeros((ROWS_PER_TILE, H), jnp.float32)
    agg2 = _sc_aggregate(x_lo, x_hi, zeros_tile, src4, dst4, nch)
    return _tc_mlp(x, agg2, W1, b1, W2, b2, eps,
                   gamma, beta, running_mean, running_var)

# --- scband reference (transcript-rebuilt; emitter-appended) ---
"""Pipeline reference for scband-ginblock-70300024701667 (READ-ONLY COPY).

The authoritative reference and input builder live on the scoring server;
editing this copy changes nothing except your own understanding.
"""

import jax, jax.numpy as jnp
import numpy as np

N = 10000
E = 160000
D_IN = 256
D_OUT = 256

def setup_inputs(seed: int = 0) -> dict:
    key = jax.random.key(seed)
    ks = jax.random.split(key, 10)
    x = jax.random.normal(ks[0], (N, D_IN), dtype=jnp.float32)
    edge_index = jax.random.randint(ks[1], (2, E), 0, N, dtype=jnp.int32)
    s1 = 1.0 / np.sqrt(D_IN)
    s2 = 1.0 / np.sqrt(D_OUT)
    W1 = jax.random.uniform(ks[2], (D_IN, D_OUT), dtype=jnp.float32, minval=-s1, maxval=s1)
    b1 = jax.random.uniform(ks[3], (D_OUT,), dtype=jnp.float32, minval=-s1, maxval=s1)
    W2 = jax.random.uniform(ks[4], (D_OUT, D_OUT), dtype=jnp.float32, minval=-s2, maxval=s2)
    b2 = jax.random.uniform(ks[5], (D_OUT,), dtype=jnp.float32, minval=-s2, maxval=s2)
    eps = jnp.zeros((), dtype=jnp.float32)  # GINConv trainable eps, init 0
    gamma = jnp.ones((D_OUT,), dtype=jnp.float32)
    beta = jnp.zeros((D_OUT,), dtype=jnp.float32)
    running_mean = jnp.zeros((D_OUT,), dtype=jnp.float32)
    running_var = jnp.ones((D_OUT,), dtype=jnp.float32)
    return {"x": x, "edge_index": edge_index, "W1": W1, "b1": b1, "W2": W2, "b2": b2,
            "eps": eps, "gamma": gamma, "beta": beta,
            "running_mean": running_mean, "running_var": running_var}

def reference(x, edge_index, W1, b1, W2, b2, eps, gamma, beta, running_mean, running_var):
    # GINConv: out = MLP((1 + eps) * x + sum_{j in N(i)} x_j)
    src = edge_index[0]
    dst = edge_index[1]
    msgs = jnp.take(x, src, axis=0)
    agg = jax.ops.segment_sum(msgs, dst, num_segments=x.shape[0])
    h = (1.0 + eps) * x + agg
    # 2-layer MLP
    h = h @ W1 + b1
    h = jax.nn.relu(h)
    h = h @ W2 + b2
    # BatchNorm1d in eval mode (running stats)
    h = (h - running_mean) * jax.lax.rsqrt(running_var + 1e-5) * gamma + beta
    h = jax.nn.relu(h)
    # dropout: identity in eval mode
    return h

if __name__ == "__main__":
    import jax
    _d = setup_inputs()
    print(jax.jit(kernel)(*tuple(_d.values())))

</pallas_src>

<mosaic_0001>
#map = affine_map<(d0, d1) -> (0, 0)>
#map1 = affine_map<(d0, d1) -> (0, 0, 0, 0)>
#map2 = affine_map<(d0, d1) -> (0, 0, 0)>
module attributes {stable_mosaic.version = 14 : i64} {
  func.func @agg_kernel(%arg0: i32, %arg1: i32, %arg2: memref<10000x128xf32, #tpu.memory_space<hbm>>, %arg3: memref<10000x128xf32, #tpu.memory_space<hbm>>, %arg4: memref<632x128xf32, #tpu.memory_space<hbm>>, %arg5: memref<16x2x40x128xi32, #tpu.memory_space<hbm>>, %arg6: memref<16x2x40x128xi32, #tpu.memory_space<hbm>>, %arg7: memref<2x10112x128xf32, #tpu.memory_space<hbm>>, %arg8: memref<40x128xi32, #tpu.memory_space<vmem>>, %arg9: memref<40x128xi32, #tpu.memory_space<vmem>>, %arg10: memref<2x128x128xf32, #tpu.memory_space<vmem>>, %arg11: memref<10112x128xf32, #tpu.memory_space<vmem_shared>>, %arg12: memref<!tpu.dma_semaphore, #tpu.memory_space<semaphore_mem>>, %arg13: memref<!tpu.dma_semaphore, #tpu.memory_space<semaphore_mem>>) attributes {dimension_semantics = [#tpu.dimension_semantics<core_parallel>, #tpu.dimension_semantics<subcore_parallel>], iteration_bounds = array<i64: 2, 16>, scalar_prefetch = 0 : i64, scratch_operands = 6 : i64, tpu.core_type = #tpu.core_type<sc_vector_subcore>, window_params = [{transform_indices = #map}, {transform_indices = #map}, {transform_indices = #map}, {transform_indices = #map1}, {transform_indices = #map1}, {transform_indices = #map2}]} {
    %eq3A = arith.constant 0 : i32
    %eq3A_0 = arith.cmpi eq, %arg0, %eq3A : i32
    %convert_element_type3A = arith.extui %eq3A_0 : i1 to i32
    %cond3A = arith.constant 0 : i32
    %cond3A_1 = arith.cmpi ne, %convert_element_type3A, %cond3A : i32
    scf.if %cond3A_1 {
      %run_scoped3A = arith.constant 0 : i32
      "tpu.region"() ({
        %run_scoped3A_70 = tpu.sem_alloc : memref<!tpu.dma_semaphore, #tpu.memory_space<semaphore_mem>>
        %dma_start3A_71 = arith.constant 0 : i32
        %dma_start3A_72 = arith.constant 0 : i32
        %dma_start3A_73 = tpu.memref_slice %arg5[%arg1, %run_scoped3A, %dma_start3A_71, %dma_start3A_72] : memref<16x2x40x128xi32, #tpu.memory_space<hbm>> -> memref<1x1x40x128xi32, #tpu.memory_space<hbm>>
        %dma_start3A_74 = tpu.memref_squeeze %dma_start3A_73 : memref<1x1x40x128xi32, #tpu.memory_space<hbm>> -> memref<40x128xi32, #tpu.memory_space<hbm>>
        %dma_start3A_75 = arith.constant 0 : i32
        %dma_start3A_76 = arith.constant 0 : i32
        %dma_start3A_77 = tpu.memref_slice %arg5[%arg1, %run_scoped3A, %dma_start3A_75, %dma_start3A_76] : memref<16x2x40x128xi32, #tpu.memory_space<hbm>> -> memref<1x1x40x128xi32, #tpu.memory_space<hbm>>
        %dma_start3A_78 = tpu.memref_squeeze %dma_start3A_77 : memref<1x1x40x128xi32, #tpu.memory_space<hbm>> -> memref<40x128xi32, #tpu.memory_space<hbm>>
        tpu.enqueue_dma source(%dma_start3A_78 : memref<40x128xi32, #tpu.memory_space<hbm>>) target(%arg8 : memref<40x128xi32, #tpu.memory_space<vmem>>) target_semaphore(%run_scoped3A_70 : memref<!tpu.dma_semaphore, #tpu.memory_space<semaphore_mem>>)
        %dma_wait3A = arith.constant 0 : i32
        %dma_wait3A_79 = arith.constant 0 : i32
        %dma_wait3A_80 = tpu.memref_slice %arg5[%arg1, %run_scoped3A, %dma_wait3A, %dma_wait3A_79] : memref<16x2x40x128xi32, #tpu.memory_space<hbm>> -> memref<1x1x40x128xi32, #tpu.memory_space<hbm>>
        %dma_wait3A_81 = tpu.memref_squeeze %dma_wait3A_80 : memref<1x1x40x128xi32, #tpu.memory_space<hbm>> -> memref<40x128xi32, #tpu.memory_space<hbm>>
        %dma_wait3A_82 = arith.constant 0 : i32
        %dma_wait3A_83 = arith.constant 0 : i32
        %dma_wait3A_84 = tpu.memref_slice %arg5[%arg1, %run_scoped3A, %dma_wait3A_82, %dma_wait3A_83] : memref<16x2x40x128xi32, #tpu.memory_space<hbm>> -> memref<1x1x40x128xi32, #tpu.memory_space<hbm>>
        %dma_wait3A_85 = tpu.memref_squeeze %dma_wait3A_84 : memref<1x1x40x128xi32, #tpu.memory_space<hbm>> -> memref<40x128xi32, #tpu.memory_space<hbm>>
        tpu.wait_dma2 semaphore(%run_scoped3A_70 : memref<!tpu.dma_semaphore, #tpu.memory_space<semaphore_mem>>) src(%dma_wait3A_85 : memref<40x128xi32, #tpu.memory_space<hbm>>) dst(%arg8 : memref<40x128xi32, #tpu.memory_space<vmem>>)
        tpu.yield
      }) : () -> ()
      %run_scoped3A_7 = arith.constant 0 : i32
      "tpu.region"() ({
        %run_scoped3A_70 = tpu.sem_alloc : memref<!tpu.dma_semaphore, #tpu.memory_space<semaphore_mem>>
        %dma_start3A_71 = arith.constant 0 : i32
        %dma_start3A_72 = arith.constant 0 : i32
        %dma_start3A_73 = tpu.memref_slice %arg6[%arg1, %run_scoped3A_7, %dma_start3A_71, %dma_start3A_72] : memref<16x2x40x128xi32, #tpu.memory_space<hbm>> -> memref<1x1x40x128xi32, #tpu.memory_space<hbm>>
        %dma_start3A_74 = tpu.memref_squeeze %dma_start3A_73 : memref<1x1x40x128xi32, #tpu.memory_space<hbm>> -> memref<40x128xi32, #tpu.memory_space<hbm>>
        %dma_start3A_75 = arith.constant 0 : i32
        %dma_start3A_76 = arith.constant 0 : i32
        %dma_start3A_77 = tpu.memref_slice %arg6[%arg1, %run_scoped3A_7, %dma_start3A_75, %dma_start3A_76] : memref<16x2x40x128xi32, #tpu.memory_space<hbm>> -> memref<1x1x40x128xi32, #tpu.memory_space<hbm>>
        %dma_start3A_78 = tpu.memref_squeeze %dma_start3A_77 : memref<1x1x40x128xi32, #tpu.memory_space<hbm>> -> memref<40x128xi32, #tpu.memory_space<hbm>>
        tpu.enqueue_dma source(%dma_start3A_78 : memref<40x128xi32, #tpu.memory_space<hbm>>) target(%arg9 : memref<40x128xi32, #tpu.memory_space<vmem>>) target_semaphore(%run_scoped3A_70 : memref<!tpu.dma_semaphore, #tpu.memory_space<semaphore_mem>>)
        %dma_wait3A = arith.constant 0 : i32
        %dma_wait3A_79 = arith.constant 0 : i32
        %dma_wait3A_80 = tpu.memref_slice %arg6[%arg1, %run_scoped3A_7, %dma_wait3A, %dma_wait3A_79] : memref<16x2x40x128xi32, #tpu.memory_space<hbm>> -> memref<1x1x40x128xi32, #tpu.memory_space<hbm>>
        %dma_wait3A_81 = tpu.memref_squeeze %dma_wait3A_80 : memref<1x1x40x128xi32, #tpu.memory_space<hbm>> -> memref<40x128xi32, #tpu.memory_space<hbm>>
        %dma_wait3A_82 = arith.constant 0 : i32
        %dma_wait3A_83 = arith.constant 0 : i32
        %dma_wait3A_84 = tpu.memref_slice %arg6[%arg1, %run_scoped3A_7, %dma_wait3A_82, %dma_wait3A_83] : memref<16x2x40x128xi32, #tpu.memory_space<hbm>> -> memref<1x1x40x128xi32, #tpu.memory_space<hbm>>
        %dma_wait3A_85 = tpu.memref_squeeze %dma_wait3A_84 : memref<1x1x40x128xi32, #tpu.memory_space<hbm>> -> memref<40x128xi32, #tpu.memory_space<hbm>>
        tpu.wait_dma2 semaphore(%run_scoped3A_70 : memref<!tpu.dma_semaphore, #tpu.memory_space<semaphore_mem>>) src(%dma_wait3A_85 : memref<40x128xi32, #tpu.memory_space<hbm>>) dst(%arg9 : memref<40x128xi32, #tpu.memory_space<vmem>>)
        tpu.yield
      }) : () -> ()
      %dma_start3A = arith.constant 0 : i32
      %dma_start3A_8 = arith.constant 0 : i32
      %dma_start3A_9 = arith.constant 0 : i32
      %dma_start3A_10 = arith.constant 0 : i32
      %dma_start3A_11 = tpu.memref_slice %arg10[%dma_start3A_8, %dma_start3A_9, %dma_start3A_10] : memref<2x128x128xf32, #tpu.memory_space<vmem>> -> memref<1x128x128xf32, #tpu.memory_space<vmem>>
      %dma_start3A_12 = tpu.memref_squeeze %dma_start3A_11 : memref<1x128x128xf32, #tpu.memory_space<vmem>> -> memref<128x128xf32, #tpu.memory_space<vmem>>
      %dma_start3A_13 = arith.constant 0 : i32
      %dma_start3A_14 = tpu.memref_slice %arg8[%dma_start3A, %dma_start3A_13] : memref<40x128xi32, #tpu.memory_space<vmem>> -> memref<1x128xi32, #tpu.memory_space<vmem>>
      %dma_start3A_15 = tpu.memref_squeeze %dma_start3A_14 : memref<1x128xi32, #tpu.memory_space<vmem>> -> memref<128xi32, #tpu.memory_space<vmem>>
      %dma_start3A_16 = arith.constant 0 : i32
      %dma_start3A_17 = arith.constant 0 : i32
      %dma_start3A_18 = tpu.memref_slice %arg2[%dma_start3A_16, %dma_start3A_17] : memref<10000x128xf32, #tpu.memory_space<hbm>> -> memref<10000x128xf32, #tpu.memory_space<hbm>>
      tpu.enqueue_indirect_dma source(%dma_start3A_18 : memref<10000x128xf32, #tpu.memory_space<hbm>>) target(%dma_start3A_12 : memref<128x128xf32, #tpu.memory_space<vmem>>) offsets(%dma_start3A_15 : memref<128xi32, #tpu.memory_space<vmem>>) semaphore(%arg12 : memref<!tpu.dma_semaphore, #tpu.memory_space<semaphore_mem>>)
      %dma_start3A_19 = arith.constant 1 : i32
      %dma_start3A_20 = arith.constant 1 : i32
      %dma_start3A_21 = arith.constant 0 : i32
      %dma_start3A_22 = arith.constant 0 : i32
      %dma_start3A_23 = tpu.memref_slice %arg10[%dma_start3A_20, %dma_start3A_21, %dma_start3A_22] : memref<2x128x128xf32, #tpu.memory_space<vmem>> -> memref<1x128x128xf32, #tpu.memory_space<vmem>>
      %dma_start3A_24 = tpu.memref_squeeze %dma_start3A_23 : memref<1x128x128xf32, #tpu.memory_space<vmem>> -> memref<128x128xf32, #tpu.memory_space<vmem>>
      %dma_start3A_25 = arith.constant 0 : i32
      %dma_start3A_26 = tpu.memref_slice %arg8[%dma_start3A_19, %dma_start3A_25] : memref<40x128xi32, #tpu.memory_space<vmem>> -> memref<1x128xi32, #tpu.memory_space<vmem>>
      %dma_start3A_27 = tpu.memref_squeeze %dma_start3A_26 : memref<1x128xi32, #tpu.memory_space<vmem>> -> memref<128xi32, #tpu.memory_space<vmem>>
      %dma_start3A_28 = arith.constant 0 : i32
      %dma_start3A_29 = arith.constant 0 : i32
      %dma_start3A_30 = tpu.memref_slice %arg2[%dma_start3A_28, %dma_start3A_29] : memref<10000x128xf32, #tpu.memory_space<hbm>> -> memref<10000x128xf32, #tpu.memory_space<hbm>>
      tpu.enqueue_indirect_dma source(%dma_start3A_30 : memref<10000x128xf32, #tpu.memory_space<hbm>>) target(%dma_start3A_24 : memref<128x128xf32, #tpu.memory_space<vmem>>) offsets(%dma_start3A_27 : memref<128xi32, #tpu.memory_space<vmem>>) semaphore(%arg13 : memref<!tpu.dma_semaphore, #tpu.memory_space<semaphore_mem>>)
      %mul3A = arith.constant 632 : i32
      %mul3A_31 = arith.muli %arg1, %mul3A : i32
      "tpu.region"() ({
        %run_scoped3A_70 = tpu.sem_alloc : memref<!tpu.dma_semaphore, #tpu.memory_space<semaphore_mem>>
        %dma_start3A_71 = arith.constant 0 : i32
        %dma_start3A_72 = tpu.memref_slice %arg11[%mul3A_31, %dma_start3A_71] : memref<10112x128xf32, #tpu.memory_space<vmem_shared>> -> memref<632x128xf32, #tpu.memory_space<vmem_shared>>
        tpu.enqueue_dma source(%arg4 : memref<632x128xf32, #tpu.memory_space<hbm>>) target(%dma_start3A_72 : memref<632x128xf32, #tpu.memory_space<vmem_shared>>) target_semaphore(%run_scoped3A_70 : memref<!tpu.dma_semaphore, #tpu.memory_space<semaphore_mem>>)
        %dma_wait3A = arith.constant 0 : i32
        %dma_wait3A_73 = tpu.memref_slice %arg11[%mul3A_31, %dma_wait3A] : memref<10112x128xf32, #tpu.memory_space<vmem_shared>> -> memref<632x128xf32, #tpu.memory_space<vmem_shared>>
        tpu.wait_dma2 semaphore(%run_scoped3A_70 : memref<!tpu.dma_semaphore, #tpu.memory_space<semaphore_mem>>) src(%arg4 : memref<632x128xf32, #tpu.memory_space<hbm>>) dst(%dma_wait3A_73 : memref<632x128xf32, #tpu.memory_space<vmem_shared>>)
        tpu.yield
      }) : () -> ()
      %barrier3A = arith.constant 0 : index
      tpu.barrier barrier_id(%barrier3A)
      %scan3A = arith.constant 0 : i32
      %scan3A_32 = arith.constant 0 : i32
      %scan3A_33 = arith.constant 20 : i32
      %scan3A_34 = arith.addi %scan3A_32, %scan3A_33 : i32
      %scan3A_35 = arith.constant 1 : i32
      scf.for %scan3A_70 = %scan3A_32 to %scan3A_34 step %scan3A_35  : i32 {
        %mul3A_71 = arith.constant 2 : i32
        %mul3A_72 = arith.muli %scan3A_70, %mul3A_71 : i32
        %add3A = arith.constant 0 : i32
        %add3A_73 = arith.addi %mul3A_72, %add3A : i32
        %dma_wait3A = arith.constant 0 : i32
        %dma_wait3A_74 = arith.constant 0 : i32
        %dma_wait3A_75 = arith.constant 0 : i32
        %dma_wait3A_76 = tpu.memref_slice %arg10[%dma_wait3A, %dma_wait3A_74, %dma_wait3A_75] : memref<2x128x128xf32, #tpu.memory_space<vmem>> -> memref<1x128x128xf32, #tpu.memory_space<vmem>>
        %dma_wait3A_77 = tpu.memref_squeeze %dma_wait3A_76 : memref<1x128x128xf32, #tpu.memory_space<vmem>> -> memref<128x128xf32, #tpu.memory_space<vmem>>
        %dma_wait3A_78 = arith.constant 0 : i32
        %dma_wait3A_79 = tpu.memref_slice %arg8[%add3A_73, %dma_wait3A_78] : memref<40x128xi32, #tpu.memory_space<vmem>> -> memref<1x128xi32, #tpu.memory_space<vmem>>
        %dma_wait3A_80 = tpu.memref_squeeze %dma_wait3A_79 : memref<1x128xi32, #tpu.memory_space<vmem>> -> memref<128xi32, #tpu.memory_space<vmem>>
        %dma_wait3A_81 = arith.constant 0 : i32
        %dma_wait3A_82 = arith.constant 0 : i32
        %dma_wait3A_83 = tpu.memref_slice %arg2[%dma_wait3A_81, %dma_wait3A_82] : memref<10000x128xf32, #tpu.memory_space<hbm>> -> memref<10000x128xf32, #tpu.memory_space<hbm>>
        tpu.wait_indirect_dma semaphore(%arg12 : memref<!tpu.dma_semaphore, #tpu.memory_space<semaphore_mem>>) src(%dma_wait3A_83 : memref<10000x128xf32, #tpu.memory_space<hbm>>) dst(%dma_wait3A_77 : memref<128x128xf32, #tpu.memory_space<vmem>>)
        %run_scoped3A_84 = arith.constant 0 : i32
        "tpu.region"() ({
          %run_scoped3A_112 = tpu.sem_alloc : memref<!tpu.dma_semaphore, #tpu.memory_space<semaphore_mem>>
          %dma_start3A_113 = arith.constant 0 : i32
          %dma_start3A_114 = arith.constant 0 : i32
          %dma_start3A_115 = tpu.memref_slice %arg10[%run_scoped3A_84, %dma_start3A_113, %dma_start3A_114] : memref<2x128x128xf32, #tpu.memory_space<vmem>> -> memref<1x128x128xf32, #tpu.memory_space<vmem>>
          %dma_start3A_116 = tpu.memref_squeeze %dma_start3A_115 : memref<1x128x128xf32, #tpu.memory_space<vmem>> -> memref<128x128xf32, #tpu.memory_space<vmem>>
          %dma_start3A_117 = arith.constant 0 : i32
          %dma_start3A_118 = tpu.memref_slice %arg9[%add3A_73, %dma_start3A_117] : memref<40x128xi32, #tpu.memory_space<vmem>> -> memref<1x128xi32, #tpu.memory_space<vmem>>
          %dma_start3A_119 = tpu.memref_squeeze %dma_start3A_118 : memref<1x128xi32, #tpu.memory_space<vmem>> -> memref<128xi32, #tpu.memory_space<vmem>>
          %dma_start3A_120 = arith.constant 0 : i32
          %dma_start3A_121 = arith.constant 0 : i32
          %dma_start3A_122 = tpu.memref_slice %arg11[%dma_start3A_120, %dma_start3A_121] : memref<10112x128xf32, #tpu.memory_space<vmem_shared>> -> memref<10112x128xf32, #tpu.memory_space<vmem_shared>>
          tpu.enqueue_indirect_dma source(%dma_start3A_116 : memref<128x128xf32, #tpu.memory_space<vmem>>) target(%dma_start3A_122 : memref<10112x128xf32, #tpu.memory_space<vmem_shared>>) offsets(%dma_start3A_119 : memref<128xi32, #tpu.memory_space<vmem>>) semaphore(%run_scoped3A_112 : memref<!tpu.dma_semaphore, #tpu.memory_space<semaphore_mem>>) {add = true}
          %dma_wait3A_123 = arith.constant 0 : i32
          %dma_wait3A_124 = arith.constant 0 : i32
          %dma_wait3A_125 = tpu.memref_slice %arg10[%run_scoped3A_84, %dma_wait3A_123, %dma_wait3A_124] : memref<2x128x128xf32, #tpu.memory_space<vmem>> -> memref<1x128x128xf32, #tpu.memory_space<vmem>>
          %dma_wait3A_126 = tpu.memref_squeeze %dma_wait3A_125 : memref<1x128x128xf32, #tpu.memory_space<vmem>> -> memref<128x128xf32, #tpu.memory_space<vmem>>
          %dma_wait3A_127 = arith.constant 0 : i32
          %dma_wait3A_128 = tpu.memref_slice %arg9[%add3A_73, %dma_wait3A_127] : memref<40x128xi32, #tpu.memory_space<vmem>> -> memref<1x128xi32, #tpu.memory_space<vmem>>
          %dma_wait3A_129 = tpu.memref_squeeze %dma_wait3A_128 : memref<1x128xi32, #tpu.memory_space<vmem>> -> memref<128xi32, #tpu.memory_space<vmem>>
          %dma_wait3A_130 = arith.constant 0 : i32
          %dma_wait3A_131 = arith.constant 0 : i32
          %dma_wait3A_132 = tpu.memref_slice %arg11[%dma_wait3A_130, %dma_wait3A_131] : memref<10112x128xf32, #tpu.memory_space<vmem_shared>> -> memref<10112x128xf32, #tpu.memory_space<vmem_shared>>
          tpu.wait_indirect_dma semaphore(%run_scoped3A_112 : memref<!tpu.dma_semaphore, #tpu.memory_space<semaphore_mem>>) src(%dma_wait3A_126 : memref<128x128xf32, #tpu.memory_space<vmem>>) dst(%dma_wait3A_132 : memref<10112x128xf32, #tpu.memory_space<vmem_shared>>)
          tpu.yield
        }) : () -> ()
        %add3A_85 = arith.constant 2 : i32
        %add3A_86 = arith.addi %add3A_73, %add3A_85 : i32
        %lt3A = arith.constant 40 : i32
        %lt3A_87 = arith.cmpi slt, %add3A_86, %lt3A : i32
        %convert_element_type3A_88 = arith.extui %lt3A_87 : i1 to i32
        %cond3A_89 = arith.constant 0 : i32
        %cond3A_90 = arith.cmpi ne, %convert_element_type3A_88, %cond3A_89 : i32
        scf.if %cond3A_90 {
          %add3A_112 = arith.constant 2 : i32
          %add3A_113 = arith.addi %add3A_73, %add3A_112 : i32
          %dma_start3A_114 = arith.constant 0 : i32
          %dma_start3A_115 = arith.constant 0 : i32
          %dma_start3A_116 = arith.constant 0 : i32
          %dma_start3A_117 = tpu.memref_slice %arg10[%dma_start3A_114, %dma_start3A_115, %dma_start3A_116] : memref<2x128x128xf32, #tpu.memory_space<vmem>> -> memref<1x128x128xf32, #tpu.memory_space<vmem>>
          %dma_start3A_118 = tpu.memref_squeeze %dma_start3A_117 : memref<1x128x128xf32, #tpu.memory_space<vmem>> -> memref<128x128xf32, #tpu.memory_space<vmem>>
          %dma_start3A_119 = arith.constant 0 : i32
          %dma_start3A_120 = tpu.memref_slice %arg8[%add3A_113, %dma_start3A_119] : memref<40x128xi32, #tpu.memory_space<vmem>> -> memref<1x128xi32, #tpu.memory_space<vmem>>
          %dma_start3A_121 = tpu.memref_squeeze %dma_start3A_120 : memref<1x128xi32, #tpu.memory_space<vmem>> -> memref<128xi32, #tpu.memory_space<vmem>>
          %dma_start3A_122 = arith.constant 0 : i32
          %dma_start3A_123 = arith.constant 0 : i32
          %dma_start3A_124 = tpu.memref_slice %arg2[%dma_start3A_122, %dma_start3A_123] : memref<10000x128xf32, #tpu.memory_space<hbm>> -> memref<10000x128xf32, #tpu.memory_space<hbm>>
          tpu.enqueue_indirect_dma source(%dma_start3A_124 : memref<10000x128xf32, #tpu.memory_space<hbm>>) target(%dma_start3A_118 : memref<128x128xf32, #tpu.memory_space<vmem>>) offsets(%dma_start3A_121 : memref<128xi32, #tpu.memory_space<vmem>>) semaphore(%arg12 : memref<!tpu.dma_semaphore, #tpu.memory_space<semaphore_mem>>)
        } else {
        }
        %add3A_91 = arith.constant 1 : i32
        %add3A_92 = arith.addi %mul3A_72, %add3A_91 : i32
        %dma_wait3A_93 = arith.constant 1 : i32
        %dma_wait3A_94 = arith.constant 0 : i32
        %dma_wait3A_95 = arith.constant 0 : i32
        %dma_wait3A_96 = tpu.memref_slice %arg10[%dma_wait3A_93, %dma_wait3A_94, %dma_wait3A_95] : memref<2x128x128xf32, #tpu.memory_space<vmem>> -> memref<1x128x128xf32, #tpu.memory_space<vmem>>
        %dma_wait3A_97 = tpu.memref_squeeze %dma_wait3A_96 : memref<1x128x128xf32, #tpu.memory_space<vmem>> -> memref<128x128xf32, #tpu.memory_space<vmem>>
        %dma_wait3A_98 = arith.constant 0 : i32
        %dma_wait3A_99 = tpu.memref_slice %arg8[%add3A_92, %dma_wait3A_98] : memref<40x128xi32, #tpu.memory_space<vmem>> -> memref<1x128xi32, #tpu.memory_space<vmem>>
        %dma_wait3A_100 = tpu.memref_squeeze %dma_wait3A_99 : memref<1x128xi32, #tpu.memory_space<vmem>> -> memref<128xi32, #tpu.memory_space<vmem>>
        %dma_wait3A_101 = arith.constant 0 : i32
        %dma_wait3A_102 = arith.constant 0 : i32
        %dma_wait3A_103 = tpu.memref_slice %arg2[%dma_wait3A_101, %dma_wait3A_102] : memref<10000x128xf32, #tpu.memory_space<hbm>> -> memref<10000x128xf32, #tpu.memory_space<hbm>>
        tpu.wait_indirect_dma semaphore(%arg13 : memref<!tpu.dma_semaphore, #tpu.memory_space<semaphore_mem>>) src(%dma_wait3A_103 : memref<10000x128xf32, #tpu.memory_space<hbm>>) dst(%dma_wait3A_97 : memref<128x128xf32, #tpu.memory_space<vmem>>)
        %run_scoped3A_104 = arith.constant 1 : i32
        "tpu.region"() ({
          %run_scoped3A_112 = tpu.sem_alloc : memref<!tpu.dma_semaphore, #tpu.memory_space<semaphore_mem>>
          %dma_start3A_113 = arith.constant 0 : i32
          %dma_start3A_114 = arith.constant 0 : i32
          %dma_start3A_115 = tpu.memref_slice %arg10[%run_scoped3A_104, %dma_start3A_113, %dma_start3A_114] : memref<2x128x128xf32, #tpu.memory_space<vmem>> -> memref<1x128x128xf32, #tpu.memory_space<vmem>>
          %dma_start3A_116 = tpu.memref_squeeze %dma_start3A_115 : memref<1x128x128xf32, #tpu.memory_space<vmem>> -> memref<128x128xf32, #tpu.memory_space<vmem>>
          %dma_start3A_117 = arith.constant 0 : i32
          %dma_start3A_118 = tpu.memref_slice %arg9[%add3A_92, %dma_start3A_117] : memref<40x128xi32, #tpu.memory_space<vmem>> -> memref<1x128xi32, #tpu.memory_space<vmem>>
          %dma_start3A_119 = tpu.memref_squeeze %dma_start3A_118 : memref<1x128xi32, #tpu.memory_space<vmem>> -> memref<128xi32, #tpu.memory_space<vmem>>
          %dma_start3A_120 = arith.constant 0 : i32
          %dma_start3A_121 = arith.constant 0 : i32
          %dma_start3A_122 = tpu.memref_slice %arg11[%dma_start3A_120, %dma_start3A_121] : memref<10112x128xf32, #tpu.memory_space<vmem_shared>> -> memref<10112x128xf32, #tpu.memory_space<vmem_shared>>
          tpu.enqueue_indirect_dma source(%dma_start3A_116 : memref<128x128xf32, #tpu.memory_space<vmem>>) target(%dma_start3A_122 : memref<10112x128xf32, #tpu.memory_space<vmem_shared>>) offsets(%dma_start3A_119 : memref<128xi32, #tpu.memory_space<vmem>>) semaphore(%run_scoped3A_112 : memref<!tpu.dma_semaphore, #tpu.memory_space<semaphore_mem>>) {add = true}
          %dma_wait3A_123 = arith.constant 0 : i32
          %dma_wait3A_124 = arith.constant 0 : i32
          %dma_wait3A_125 = tpu.memref_slice %arg10[%run_scoped3A_104, %dma_wait3A_123, %dma_wait3A_124] : memref<2x128x128xf32, #tpu.memory_space<vmem>> -> memref<1x128x128xf32, #tpu.memory_space<vmem>>
          %dma_wait3A_126 = tpu.memref_squeeze %dma_wait3A_125 : memref<1x128x128xf32, #tpu.memory_space<vmem>> -> memref<128x128xf32, #tpu.memory_space<vmem>>
          %dma_wait3A_127 = arith.constant 0 : i32
          %dma_wait3A_128 = tpu.memref_slice %arg9[%add3A_92, %dma_wait3A_127] : memref<40x128xi32, #tpu.memory_space<vmem>> -> memref<1x128xi32, #tpu.memory_space<vmem>>
          %dma_wait3A_129 = tpu.memref_squeeze %dma_wait3A_128 : memref<1x128xi32, #tpu.memory_space<vmem>> -> memref<128xi32, #tpu.memory_space<vmem>>
          %dma_wait3A_130 = arith.constant 0 : i32
          %dma_wait3A_131 = arith.constant 0 : i32
          %dma_wait3A_132 = tpu.memref_slice %arg11[%dma_wait3A_130, %dma_wait3A_131] : memref<10112x128xf32, #tpu.memory_space<vmem_shared>> -> memref<10112x128xf32, #tpu.memory_space<vmem_shared>>
          tpu.wait_indirect_dma semaphore(%run_scoped3A_112 : memref<!tpu.dma_semaphore, #tpu.memory_space<semaphore_mem>>) src(%dma_wait3A_126 : memref<128x128xf32, #tpu.memory_space<vmem>>) dst(%dma_wait3A_132 : memref<10112x128xf32, #tpu.memory_space<vmem_shared>>)
          tpu.yield
        }) : () -> ()
        %add3A_105 = arith.constant 2 : i32
        %add3A_106 = arith.addi %add3A_92, %add3A_105 : i32
        %lt3A_107 = arith.constant 40 : i32
        %lt3A_108 = arith.cmpi slt, %add3A_106, %lt3A_107 : i32
        %convert_element_type3A_109 = arith.extui %lt3A_108 : i1 to i32
        %cond3A_110 = arith.constant 0 : i32
        %cond3A_111 = arith.cmpi ne, %convert_element_type3A_109, %cond3A_110 : i32
        scf.if %cond3A_111 {
          %add3A_112 = arith.constant 2 : i32
          %add3A_113 = arith.addi %add3A_92, %add3A_112 : i32
          %dma_start3A_114 = arith.constant 1 : i32
          %dma_start3A_115 = arith.constant 0 : i32
          %dma_start3A_116 = arith.constant 0 : i32
          %dma_start3A_117 = tpu.memref_slice %arg10[%dma_start3A_114, %dma_start3A_115, %dma_start3A_116] : memref<2x128x128xf32, #tpu.memory_space<vmem>> -> memref<1x128x128xf32, #tpu.memory_space<vmem>>
          %dma_start3A_118 = tpu.memref_squeeze %dma_start3A_117 : memref<1x128x128xf32, #tpu.memory_space<vmem>> -> memref<128x128xf32, #tpu.memory_space<vmem>>
          %dma_start3A_119 = arith.constant 0 : i32
          %dma_start3A_120 = tpu.memref_slice %arg8[%add3A_113, %dma_start3A_119] : memref<40x128xi32, #tpu.memory_space<vmem>> -> memref<1x128xi32, #tpu.memory_space<vmem>>
          %dma_start3A_121 = tpu.memref_squeeze %dma_start3A_120 : memref<1x128xi32, #tpu.memory_space<vmem>> -> memref<128xi32, #tpu.memory_space<vmem>>
          %dma_start3A_122 = arith.constant 0 : i32
          %dma_start3A_123 = arith.constant 0 : i32
          %dma_start3A_124 = tpu.memref_slice %arg2[%dma_start3A_122, %dma_start3A_123] : memref<10000x128xf32, #tpu.memory_space<hbm>> -> memref<10000x128xf32, #tpu.memory_space<hbm>>
          tpu.enqueue_indirect_dma source(%dma_start3A_124 : memref<10000x128xf32, #tpu.memory_space<hbm>>) target(%dma_start3A_118 : memref<128x128xf32, #tpu.memory_space<vmem>>) offsets(%dma_start3A_121 : memref<128xi32, #tpu.memory_space<vmem>>) semaphore(%arg13 : memref<!tpu.dma_semaphore, #tpu.memory_space<semaphore_mem>>)
        } else {
        }
      }
      %scan3A_36 = arith.constant 20 : i32
      %run_scoped3A_37 = arith.constant 1 : i32
      "tpu.region"() ({
        %run_scoped3A_70 = tpu.sem_alloc : memref<!tpu.dma_semaphore, #tpu.memory_space<semaphore_mem>>
        %dma_start3A_71 = arith.constant 0 : i32
        %dma_start3A_72 = arith.constant 0 : i32
        %dma_start3A_73 = tpu.memref_slice %arg5[%arg1, %run_scoped3A_37, %dma_start3A_71, %dma_start3A_72] : memref<16x2x40x128xi32, #tpu.memory_space<hbm>> -> memref<1x1x40x128xi32, #tpu.memory_space<hbm>>
        %dma_start3A_74 = tpu.memref_squeeze %dma_start3A_73 : memref<1x1x40x128xi32, #tpu.memory_space<hbm>> -> memref<40x128xi32, #tpu.memory_space<hbm>>
        %dma_start3A_75 = arith.constant 0 : i32
        %dma_start3A_76 = arith.constant 0 : i32
        %dma_start3A_77 = tpu.memref_slice %arg5[%arg1, %run_scoped3A_37, %dma_start3A_75, %dma_start3A_76] : memref<16x2x40x128xi32, #tpu.memory_space<hbm>> -> memref<1x1x40x128xi32, #tpu.memory_space<hbm>>
        %dma_start3A_78 = tpu.memref_squeeze %dma_start3A_77 : memref<1x1x40x128xi32, #tpu.memory_space<hbm>> -> memref<40x128xi32, #tpu.memory_space<hbm>>
        tpu.enqueue_dma source(%dma_start3A_78 : memref<40x128xi32, #tpu.memory_space<hbm>>) target(%arg8 : memref<40x128xi32, #tpu.memory_space<vmem>>) target_semaphore(%run_scoped3A_70 : memref<!tpu.dma_semaphore, #tpu.memory_space<semaphore_mem>>)
        %dma_wait3A = arith.constant 0 : i32
        %dma_wait3A_79 = arith.constant 0 : i32
        %dma_wait3A_80 = tpu.memref_slice %arg5[%arg1, %run_scoped3A_37, %dma_wait3A, %dma_wait3A_79] : memref<16x2x40x128xi32, #tpu.memory_space<hbm>> -> memref<1x1x40x128xi32, #tpu.memory_space<hbm>>
        %dma_wait3A_81 = tpu.memref_squeeze %dma_wait3A_80 : memref<1x1x40x128xi32, #tpu.memory_space<hbm>> -> memref<40x128xi32, #tpu.memory_space<hbm>>
        %dma_wait3A_82 = arith.constant 0 : i32
        %dma_wait3A_83 = arith.constant 0 : i32
        %dma_wait3A_84 = tpu.memref_slice %arg5[%arg1, %run_scoped3A_37, %dma_wait3A_82, %dma_wait3A_83] : memref<16x2x40x128xi32, #tpu.memory_space<hbm>> -> memref<1x1x40x128xi32, #tpu.memory_space<hbm>>
        %dma_wait3A_85 = tpu.memref_squeeze %dma_wait3A_84 : memref<1x1x40x128xi32, #tpu.memory_space<hbm>> -> memref<40x128xi32, #tpu.memory_space<hbm>>
        tpu.wait_dma2 semaphore(%run_scoped3A_70 : memref<!tpu.dma_semaphore, #tpu.memory_space<semaphore_mem>>) src(%dma_wait3A_85 : memref<40x128xi32, #tpu.memory_space<hbm>>) dst(%arg8 : memref<40x128xi32, #tpu.memory_space<vmem>>)
        tpu.yield
      }) : () -> ()
      %run_scoped3A_38 = arith.constant 1 : i32
      "tpu.region"() ({
        %run_scoped3A_70 = tpu.sem_alloc : memref<!tpu.dma_semaphore, #tpu.memory_space<semaphore_mem>>
        %dma_start3A_71 = arith.constant 0 : i32
        %dma_start3A_72 = arith.constant 0 : i32
        %dma_start3A_73 = tpu.memref_slice %arg6[%arg1, %run_scoped3A_38, %dma_start3A_71, %dma_start3A_72] : memref<16x2x40x128xi32, #tpu.memory_space<hbm>> -> memref<1x1x40x128xi32, #tpu.memory_space<hbm>>
        %dma_start3A_74 = tpu.memref_squeeze %dma_start3A_73 : memref<1x1x40x128xi32, #tpu.memory_space<hbm>> -> memref<40x128xi32, #tpu.memory_space<hbm>>
        %dma_start3A_75 = arith.constant 0 : i32
        %dma_start3A_76 = arith.constant 0 : i32
        %dma_start3A_77 = tpu.memref_slice %arg6[%arg1, %run_scoped3A_38, %dma_start3A_75, %dma_start3A_76] : memref<16x2x40x128xi32, #tpu.memory_space<hbm>> -> memref<1x1x40x128xi32, #tpu.memory_space<hbm>>
        %dma_start3A_78 = tpu.memref_squeeze %dma_start3A_77 : memref<1x1x40x128xi32, #tpu.memory_space<hbm>> -> memref<40x128xi32, #tpu.memory_space<hbm>>
        tpu.enqueue_dma source(%dma_start3A_78 : memref<40x128xi32, #tpu.memory_space<hbm>>) target(%arg9 : memref<40x128xi32, #tpu.memory_space<vmem>>) target_semaphore(%run_scoped3A_70 : memref<!tpu.dma_semaphore, #tpu.memory_space<semaphore_mem>>)
        %dma_wait3A = arith.constant 0 : i32
        %dma_wait3A_79 = arith.constant 0 : i32
        %dma_wait3A_80 = tpu.memref_slice %arg6[%arg1, %run_scoped3A_38, %dma_wait3A, %dma_wait3A_79] : memref<16x2x40x128xi32, #tpu.memory_space<hbm>> -> memref<1x1x40x128xi32, #tpu.memory_space<hbm>>
        %dma_wait3A_81 = tpu.memref_squeeze %dma_wait3A_80 : memref<1x1x40x128xi32, #tpu.memory_space<hbm>> -> memref<40x128xi32, #tpu.memory_space<hbm>>
        %dma_wait3A_82 = arith.constant 0 : i32
        %dma_wait3A_83 = arith.constant 0 : i32
        %dma_wait3A_84 = tpu.memref_slice %arg6[%arg1, %run_scoped3A_38, %dma_wait3A_82, %dma_wait3A_83] : memref<16x2x40x128xi32, #tpu.memory_space<hbm>> -> memref<1x1x40x128xi32, #tpu.memory_space<hbm>>
        %dma_wait3A_85 = tpu.memref_squeeze %dma_wait3A_84 : memref<1x1x40x128xi32, #tpu.memory_space<hbm>> -> memref<40x128xi32, #tpu.memory_space<hbm>>
        tpu.wait_dma2 semaphore(%run_scoped3A_70 : memref<!tpu.dma_semaphore, #tpu.memory_space<semaphore_mem>>) src(%dma_wait3A_85 : memref<40x128xi32, #tpu.memory_space<hbm>>) dst(%arg9 : memref<40x128xi32, #tpu.memory_space<vmem>>)
        tpu.yield
      }) : () -> ()
      %dma_start3A_39 = arith.constant 0 : i32
      %dma_start3A_40 = arith.constant 0 : i32
      %dma_start3A_41 = arith.constant 0 : i32
      %dma_start3A_42 = arith.constant 0 : i32
      %dma_start3A_43 = tpu.memref_slice %arg10[%dma_start3A_40, %dma_start3A_41, %dma_start3A_42] : memref<2x128x128xf32, #tpu.memory_space<vmem>> -> memref<1x128x128xf32, #tpu.memory_space<vmem>>
      %dma_start3A_44 = tpu.memref_squeeze %dma_start3A_43 : memref<1x128x128xf32, #tpu.memory_space<vmem>> -> memref<128x128xf32, #tpu.memory_space<vmem>>
      %dma_start3A_45 = arith.constant 0 : i32
      %dma_start3A_46 = tpu.memref_slice %arg8[%dma_start3A_39, %dma_start3A_45] : memref<40x128xi32, #tpu.memory_space<vmem>> -> memref<1x128xi32, #tpu.memory_space<vmem>>
      %dma_start3A_47 = tpu.memref_squeeze %dma_start3A_46 : memref<1x128xi32, #tpu.memory_space<vmem>> -> memref<128xi32, #tpu.memory_space<vmem>>
      %dma_start3A_48 = arith.constant 0 : i32
      %dma_start3A_49 = arith.constant 0 : i32
      %dma_start3A_50 = tpu.memref_slice %arg2[%dma_start3A_48, %dma_start3A_49] : memref<10000x128xf32, #tpu.memory_space<hbm>> -> memref<10000x128xf32, #tpu.memory_space<hbm>>
      tpu.enqueue_indirect_dma source(%dma_start3A_50 : memref<10000x128xf32, #tpu.memory_space<hbm>>) target(%dma_start3A_44 : memref<128x128xf32, #tpu.memory_space<vmem>>) offsets(%dma_start3A_47 : memref<128xi32, #tpu.memory_space<vmem>>) semaphore(%arg12 : memref<!tpu.dma_semaphore, #tpu.memory_space<semaphore_mem>>)
      %dma_start3A_51 = arith.constant 1 : i32
      %dma_start3A_52 = arith.constant 1 : i32
      %dma_start3A_53 = arith.constant 0 : i32
      %dma_start3A_54 = arith.constant 0 : i32
      %dma_start3A_55 = tpu.memref_slice %arg10[%dma_start3A_52, %dma_start3A_53, %dma_start3A_54] : memref<2x128x128xf32, #tpu.memory_space<vmem>> -> memref<1x128x128xf32, #tpu.memory_space<vmem>>
      %dma_start3A_56 = tpu.memref_squeeze %dma_start3A_55 : memref<1x128x128xf32, #tpu.memory_space<vmem>> -> memref<128x128xf32, #tpu.memory_space<vmem>>
      %dma_start3A_57 = arith.constant 0 : i32
      %dma_start3A_58 = tpu.memref_slice %arg8[%dma_start3A_51, %dma_start3A_57] : memref<40x128xi32, #tpu.memory_space<vmem>> -> memref<1x128xi32, #tpu.memory_space<vmem>>
      %dma_start3A_59 = tpu.memref_squeeze %dma_start3A_58 : memref<1x128xi32, #tpu.memory_space<vmem>> -> memref<128xi32, #tpu.memory_space<vmem>>
      %dma_start3A_60 = arith.constant 0 : i32
      %dma_start3A_61 = arith.constant 0 : i32
      %dma_start3A_62 = tpu.memref_slice %arg2[%dma_start3A_60, %dma_start3A_61] : memref<10000x128xf32, #tpu.memory_space<hbm>> -> memref<10000x128xf32, #tpu.memory_space<hbm>>
      tpu.enqueue_indirect_dma source(%dma_start3A_62 : memref<10000x128xf32, #tpu.memory_space<hbm>>) target(%dma_start3A_56 : memref<128x128xf32, #tpu.memory_space<vmem>>) offsets(%dma_start3A_59 : memref<128xi32, #tpu.memory_space<vmem>>) semaphore(%arg13 : memref<!tpu.dma_semaphore, #tpu.memory_space<semaphore_mem>>)
      %scan3A_63 = arith.constant 0 : i32
      %scan3A_64 = arith.constant 0 : i32
      %scan3A_65 = arith.constant 20 : i32
      %scan3A_66 = arith.addi %scan3A_64, %scan3A_65 : i32
      %scan3A_67 = arith.constant 1 : i32
      scf.for %scan3A_70 = %scan3A_64 to %scan3A_66 step %scan3A_67  : i32 {
        %mul3A_71 = arith.constant 2 : i32
        %mul3A_72 = arith.muli %scan3A_70, %mul3A_71 : i32
        %add3A = arith.constant 0 : i32
        %add3A_73 = arith.addi %mul3A_72, %add3A : i32
        %dma_wait3A = arith.constant 0 : i32
        %dma_wait3A_74 = arith.constant 0 : i32
        %dma_wait3A_75 = arith.constant 0 : i32
        %dma_wait3A_76 = tpu.memref_slice %arg10[%dma_wait3A, %dma_wait3A_74, %dma_wait3A_75] : memref<2x128x128xf32, #tpu.memory_space<vmem>> -> memref<1x128x128xf32, #tpu.memory_space<vmem>>
        %dma_wait3A_77 = tpu.memref_squeeze %dma_wait3A_76 : memref<1x128x128xf32, #tpu.memory_space<vmem>> -> memref<128x128xf32, #tpu.memory_space<vmem>>
        %dma_wait3A_78 = arith.constant 0 : i32
        %dma_wait3A_79 = tpu.memref_slice %arg8[%add3A_73, %dma_wait3A_78] : memref<40x128xi32, #tpu.memory_space<vmem>> -> memref<1x128xi32, #tpu.memory_space<vmem>>
        %dma_wait3A_80 = tpu.memref_squeeze %dma_wait3A_79 : memref<1x128xi32, #tpu.memory_space<vmem>> -> memref<128xi32, #tpu.memory_space<vmem>>
        %dma_wait3A_81 = arith.constant 0 : i32
        %dma_wait3A_82 = arith.constant 0 : i32
        %dma_wait3A_83 = tpu.memref_slice %arg2[%dma_wait3A_81, %dma_wait3A_82] : memref<10000x128xf32, #tpu.memory_space<hbm>> -> memref<10000x128xf32, #tpu.memory_space<hbm>>
        tpu.wait_indirect_dma semaphore(%arg12 : memref<!tpu.dma_semaphore, #tpu.memory_space<semaphore_mem>>) src(%dma_wait3A_83 : memref<10000x128xf32, #tpu.memory_space<hbm>>) dst(%dma_wait3A_77 : memref<128x128xf32, #tpu.memory_space<vmem>>)
        %run_scoped3A_84 = arith.constant 0 : i32
        "tpu.region"() ({
          %run_scoped3A_112 = tpu.sem_alloc : memref<!tpu.dma_semaphore, #tpu.memory_space<semaphore_mem>>
          %dma_start3A_113 = arith.constant 0 : i32
          %dma_start3A_114 = arith.constant 0 : i32
          %dma_start3A_115 = tpu.memref_slice %arg10[%run_scoped3A_84, %dma_start3A_113, %dma_start3A_114] : memref<2x128x128xf32, #tpu.memory_space<vmem>> -> memref<1x128x128xf32, #tpu.memory_space<vmem>>
          %dma_start3A_116 = tpu.memref_squeeze %dma_start3A_115 : memref<1x128x128xf32, #tpu.memory_space<vmem>> -> memref<128x128xf32, #tpu.memory_space<vmem>>
          %dma_start3A_117 = arith.constant 0 : i32
          %dma_start3A_118 = tpu.memref_slice %arg9[%add3A_73, %dma_start3A_117] : memref<40x128xi32, #tpu.memory_space<vmem>> -> memref<1x128xi32, #tpu.memory_space<vmem>>
          %dma_start3A_119 = tpu.memref_squeeze %dma_start3A_118 : memref<1x128xi32, #tpu.memory_space<vmem>> -> memref<128xi32, #tpu.memory_space<vmem>>
          %dma_start3A_120 = arith.constant 0 : i32
          %dma_start3A_121 = arith.constant 0 : i32
          %dma_start3A_122 = tpu.memref_slice %arg11[%dma_start3A_120, %dma_start3A_121] : memref<10112x128xf32, #tpu.memory_space<vmem_shared>> -> memref<10112x128xf32, #tpu.memory_space<vmem_shared>>
          tpu.enqueue_indirect_dma source(%dma_start3A_116 : memref<128x128xf32, #tpu.memory_space<vmem>>) target(%dma_start3A_122 : memref<10112x128xf32, #tpu.memory_space<vmem_shared>>) offsets(%dma_start3A_119 : memref<128xi32, #tpu.memory_space<vmem>>) semaphore(%run_scoped3A_112 : memref<!tpu.dma_semaphore, #tpu.memory_space<semaphore_mem>>) {add = true}
          %dma_wait3A_123 = arith.constant 0 : i32
          %dma_wait3A_124 = arith.constant 0 : i32
          %dma_wait3A_125 = tpu.memref_slice %arg10[%run_scoped3A_84, %dma_wait3A_123, %dma_wait3A_124] : memref<2x128x128xf32, #tpu.memory_space<vmem>> -> memref<1x128x128xf32, #tpu.memory_space<vmem>>
          %dma_wait3A_126 = tpu.memref_squeeze %dma_wait3A_125 : memref<1x128x128xf32, #tpu.memory_space<vmem>> -> memref<128x128xf32, #tpu.memory_space<vmem>>
          %dma_wait3A_127 = arith.constant 0 : i32
          %dma_wait3A_128 = tpu.memref_slice %arg9[%add3A_73, %dma_wait3A_127] : memref<40x128xi32, #tpu.memory_space<vmem>> -> memref<1x128xi32, #tpu.memory_space<vmem>>
          %dma_wait3A_129 = tpu.memref_squeeze %dma_wait3A_128 : memref<1x128xi32, #tpu.memory_space<vmem>> -> memref<128xi32, #tpu.memory_space<vmem>>
          %dma_wait3A_130 = arith.constant 0 : i32
          %dma_wait3A_131 = arith.constant 0 : i32
          %dma_wait3A_132 = tpu.memref_slice %arg11[%dma_wait3A_130, %dma_wait3A_131] : memref<10112x128xf32, #tpu.memory_space<vmem_shared>> -> memref<10112x128xf32, #tpu.memory_space<vmem_shared>>
          tpu.wait_indirect_dma semaphore(%run_scoped3A_112 : memref<!tpu.dma_semaphore, #tpu.memory_space<semaphore_mem>>) src(%dma_wait3A_126 : memref<128x128xf32, #tpu.memory_space<vmem>>) dst(%dma_wait3A_132 : memref<10112x128xf32, #tpu.memory_space<vmem_shared>>)
          tpu.yield
        }) : () -> ()
        %add3A_85 = arith.constant 2 : i32
        %add3A_86 = arith.addi %add3A_73, %add3A_85 : i32
        %lt3A = arith.constant 40 : i32
        %lt3A_87 = arith.cmpi slt, %add3A_86, %lt3A : i32
        %convert_element_type3A_88 = arith.extui %lt3A_87 : i1 to i32
        %cond3A_89 = arith.constant 0 : i32
        %cond3A_90 = arith.cmpi ne, %convert_element_type3A_88, %cond3A_89 : i32
        scf.if %cond3A_90 {
          %add3A_112 = arith.constant 2 : i32
          %add3A_113 = arith.addi %add3A_73, %add3A_112 : i32
          %dma_start3A_114 = arith.constant 0 : i32
          %dma_start3A_115 = arith.constant 0 : i32
          %dma_start3A_116 = arith.constant 0 : i32
          %dma_start3A_117 = tpu.memref_slice %arg10[%dma_start3A_114, %dma_start3A_115, %dma_start3A_116] : memref<2x128x128xf32, #tpu.memory_space<vmem>> -> memref<1x128x128xf32, #tpu.memory_space<vmem>>
          %dma_start3A_118 = tpu.memref_squeeze %dma_start3A_117 : memref<1x128x128xf32, #tpu.memory_space<vmem>> -> memref<128x128xf32, #tpu.memory_space<vmem>>
          %dma_start3A_119 = arith.constant 0 : i32
          %dma_start3A_120 = tpu.memref_slice %arg8[%add3A_113, %dma_start3A_119] : memref<40x128xi32, #tpu.memory_space<vmem>> -> memref<1x128xi32, #tpu.memory_space<vmem>>
          %dma_start3A_121 = tpu.memref_squeeze %dma_start3A_120 : memref<1x128xi32, #tpu.memory_space<vmem>> -> memref<128xi32, #tpu.memory_space<vmem>>
          %dma_start3A_122 = arith.constant 0 : i32
          %dma_start3A_123 = arith.constant 0 : i32
          %dma_start3A_124 = tpu.memref_slice %arg2[%dma_start3A_122, %dma_start3A_123] : memref<10000x128xf32, #tpu.memory_space<hbm>> -> memref<10000x128xf32, #tpu.memory_space<hbm>>
          tpu.enqueue_indirect_dma source(%dma_start3A_124 : memref<10000x128xf32, #tpu.memory_space<hbm>>) target(%dma_start3A_118 : memref<128x128xf32, #tpu.memory_space<vmem>>) offsets(%dma_start3A_121 : memref<128xi32, #tpu.memory_space<vmem>>) semaphore(%arg12 : memref<!tpu.dma_semaphore, #tpu.memory_space<semaphore_mem>>)
        } else {
        }
        %add3A_91 = arith.constant 1 : i32
        %add3A_92 = arith.addi %mul3A_72, %add3A_91 : i32
        %dma_wait3A_93 = arith.constant 1 : i32
        %dma_wait3A_94 = arith.constant 0 : i32
        %dma_wait3A_95 = arith.constant 0 : i32
        %dma_wait3A_96 = tpu.memref_slice %arg10[%dma_wait3A_93, %dma_wait3A_94, %dma_wait3A_95] : memref<2x128x128xf32, #tpu.memory_space<vmem>> -> memref<1x128x128xf32, #tpu.memory_space<vmem>>
        %dma_wait3A_97 = tpu.memref_squeeze %dma_wait3A_96 : memref<1x128x128xf32, #tpu.memory_space<vmem>> -> memref<128x128xf32, #tpu.memory_space<vmem>>
        %dma_wait3A_98 = arith.constant 0 : i32
        %dma_wait3A_99 = tpu.memref_slice %arg8[%add3A_92, %dma_wait3A_98] : memref<40x128xi32, #tpu.memory_space<vmem>> -> memref<1x128xi32, #tpu.memory_space<vmem>>
        %dma_wait3A_100 = tpu.memref_squeeze %dma_wait3A_99 : memref<1x128xi32, #tpu.memory_space<vmem>> -> memref<128xi32, #tpu.memory_space<vmem>>
        %dma_wait3A_101 = arith.constant 0 : i32
        %dma_wait3A_102 = arith.constant 0 : i32
        %dma_wait3A_103 = tpu.memref_slice %arg2[%dma_wait3A_101, %dma_wait3A_102] : memref<10000x128xf32, #tpu.memory_space<hbm>> -> memref<10000x128xf32, #tpu.memory_space<hbm>>
        tpu.wait_indirect_dma semaphore(%arg13 : memref<!tpu.dma_semaphore, #tpu.memory_space<semaphore_mem>>) src(%dma_wait3A_103 : memref<10000x128xf32, #tpu.memory_space<hbm>>) dst(%dma_wait3A_97 : memref<128x128xf32, #tpu.memory_space<vmem>>)
        %run_scoped3A_104 = arith.constant 1 : i32
        "tpu.region"() ({
          %run_scoped3A_112 = tpu.sem_alloc : memref<!tpu.dma_semaphore, #tpu.memory_space<semaphore_mem>>
          %dma_start3A_113 = arith.constant 0 : i32
          %dma_start3A_114 = arith.constant 0 : i32
          %dma_start3A_115 = tpu.memref_slice %arg10[%run_scoped3A_104, %dma_start3A_113, %dma_start3A_114] : memref<2x128x128xf32, #tpu.memory_space<vmem>> -> memref<1x128x128xf32, #tpu.memory_space<vmem>>
          %dma_start3A_116 = tpu.memref_squeeze %dma_start3A_115 : memref<1x128x128xf32, #tpu.memory_space<vmem>> -> memref<128x128xf32, #tpu.memory_space<vmem>>
          %dma_start3A_117 = arith.constant 0 : i32
          %dma_start3A_118 = tpu.memref_slice %arg9[%add3A_92, %dma_start3A_117] : memref<40x128xi32, #tpu.memory_space<vmem>> -> memref<1x128xi32, #tpu.memory_space<vmem>>
          %dma_start3A_119 = tpu.memref_squeeze %dma_start3A_118 : memref<1x128xi32, #tpu.memory_space<vmem>> -> memref<128xi32, #tpu.memory_space<vmem>>
          %dma_start3A_120 = arith.constant 0 : i32
          %dma_start3A_121 = arith.constant 0 : i32
          %dma_start3A_122 = tpu.memref_slice %arg11[%dma_start3A_120, %dma_start3A_121] : memref<10112x128xf32, #tpu.memory_space<vmem_shared>> -> memref<10112x128xf32, #tpu.memory_space<vmem_shared>>
          tpu.enqueue_indirect_dma source(%dma_start3A_116 : memref<128x128xf32, #tpu.memory_space<vmem>>) target(%dma_start3A_122 : memref<10112x128xf32, #tpu.memory_space<vmem_shared>>) offsets(%dma_start3A_119 : memref<128xi32, #tpu.memory_space<vmem>>) semaphore(%run_scoped3A_112 : memref<!tpu.dma_semaphore, #tpu.memory_space<semaphore_mem>>) {add = true}
          %dma_wait3A_123 = arith.constant 0 : i32
          %dma_wait3A_124 = arith.constant 0 : i32
          %dma_wait3A_125 = tpu.memref_slice %arg10[%run_scoped3A_104, %dma_wait3A_123, %dma_wait3A_124] : memref<2x128x128xf32, #tpu.memory_space<vmem>> -> memref<1x128x128xf32, #tpu.memory_space<vmem>>
          %dma_wait3A_126 = tpu.memref_squeeze %dma_wait3A_125 : memref<1x128x128xf32, #tpu.memory_space<vmem>> -> memref<128x128xf32, #tpu.memory_space<vmem>>
          %dma_wait3A_127 = arith.constant 0 : i32
          %dma_wait3A_128 = tpu.memref_slice %arg9[%add3A_92, %dma_wait3A_127] : memref<40x128xi32, #tpu.memory_space<vmem>> -> memref<1x128xi32, #tpu.memory_space<vmem>>
          %dma_wait3A_129 = tpu.memref_squeeze %dma_wait3A_128 : memref<1x128xi32, #tpu.memory_space<vmem>> -> memref<128xi32, #tpu.memory_space<vmem>>
          %dma_wait3A_130 = arith.constant 0 : i32
          %dma_wait3A_131 = arith.constant 0 : i32
          %dma_wait3A_132 = tpu.memref_slice %arg11[%dma_wait3A_130, %dma_wait3A_131] : memref<10112x128xf32, #tpu.memory_space<vmem_shared>> -> memref<10112x128xf32, #tpu.memory_space<vmem_shared>>
          tpu.wait_indirect_dma semaphore(%run_scoped3A_112 : memref<!tpu.dma_semaphore, #tpu.memory_space<semaphore_mem>>) src(%dma_wait3A_126 : memref<128x128xf32, #tpu.memory_space<vmem>>) dst(%dma_wait3A_132 : memref<10112x128xf32, #tpu.memory_space<vmem_shared>>)
          tpu.yield
        }) : () -> ()
        %add3A_105 = arith.constant 2 : i32
        %add3A_106 = arith.addi %add3A_92, %add3A_105 : i32
        %lt3A_107 = arith.constant 40 : i32
        %lt3A_108 = arith.cmpi slt, %add3A_106, %lt3A_107 : i32
        %convert_element_type3A_109 = arith.extui %lt3A_108 : i1 to i32
        %cond3A_110 = arith.constant 0 : i32
        %cond3A_111 = arith.cmpi ne, %convert_element_type3A_109, %cond3A_110 : i32
        scf.if %cond3A_111 {
          %add3A_112 = arith.constant 2 : i32
          %add3A_113 = arith.addi %add3A_92, %add3A_112 : i32
          %dma_start3A_114 = arith.constant 1 : i32
          %dma_start3A_115 = arith.constant 0 : i32
          %dma_start3A_116 = arith.constant 0 : i32
          %dma_start3A_117 = tpu.memref_slice %arg10[%dma_start3A_114, %dma_start3A_115, %dma_start3A_116] : memref<2x128x128xf32, #tpu.memory_space<vmem>> -> memref<1x128x128xf32, #tpu.memory_space<vmem>>
          %dma_start3A_118 = tpu.memref_squeeze %dma_start3A_117 : memref<1x128x128xf32, #tpu.memory_space<vmem>> -> memref<128x128xf32, #tpu.memory_space<vmem>>
          %dma_start3A_119 = arith.constant 0 : i32
          %dma_start3A_120 = tpu.memref_slice %arg8[%add3A_113, %dma_start3A_119] : memref<40x128xi32, #tpu.memory_space<vmem>> -> memref<1x128xi32, #tpu.memory_space<vmem>>
          %dma_start3A_121 = tpu.memref_squeeze %dma_start3A_120 : memref<1x128xi32, #tpu.memory_space<vmem>> -> memref<128xi32, #tpu.memory_space<vmem>>
          %dma_start3A_122 = arith.constant 0 : i32
          %dma_start3A_123 = arith.constant 0 : i32
          %dma_start3A_124 = tpu.memref_slice %arg2[%dma_start3A_122, %dma_start3A_123] : memref<10000x128xf32, #tpu.memory_space<hbm>> -> memref<10000x128xf32, #tpu.memory_space<hbm>>
          tpu.enqueue_indirect_dma source(%dma_start3A_124 : memref<10000x128xf32, #tpu.memory_space<hbm>>) target(%dma_start3A_118 : memref<128x128xf32, #tpu.memory_space<vmem>>) offsets(%dma_start3A_121 : memref<128xi32, #tpu.memory_space<vmem>>) semaphore(%arg13 : memref<!tpu.dma_semaphore, #tpu.memory_space<semaphore_mem>>)
        } else {
        }
      }
      %scan3A_68 = arith.constant 20 : i32
      %barrier3A_69 = arith.constant 0 : index
      tpu.barrier barrier_id(%barrier3A_69)
      "tpu.region"() ({
        %run_scoped3A_70 = tpu.sem_alloc : memref<!tpu.dma_semaphore, #tpu.memory_space<semaphore_mem>>
        %dma_start3A_71 = arith.constant 0 : i32
        %dma_start3A_72 = tpu.memref_slice %arg7[%arg0, %mul3A_31, %dma_start3A_71] : memref<2x10112x128xf32, #tpu.memory_space<hbm>> -> memref<1x632x128xf32, #tpu.memory_space<hbm>>
        %dma_start3A_73 = tpu.memref_squeeze %dma_start3A_72 : memref<1x632x128xf32, #tpu.memory_space<hbm>> -> memref<632x128xf32, #tpu.memory_space<hbm>>
        %dma_start3A_74 = arith.constant 0 : i32
        %dma_start3A_75 = tpu.memref_slice %arg11[%mul3A_31, %dma_start3A_74] : memref<10112x128xf32, #tpu.memory_space<vmem_shared>> -> memref<632x128xf32, #tpu.memory_space<vmem_shared>>
        tpu.enqueue_dma source(%dma_start3A_75 : memref<632x128xf32, #tpu.memory_space<vmem_shared>>) target(%dma_start3A_73 : memref<632x128xf32, #tpu.memory_space<hbm>>) target_semaphore(%run_scoped3A_70 : memref<!tpu.dma_semaphore, #tpu.memory_space<semaphore_mem>>)
        %dma_wait3A = arith.constant 0 : i32
        %dma_wait3A_76 = tpu.memref_slice %arg7[%arg0, %mul3A_31, %dma_wait3A] : memref<2x10112x128xf32, #tpu.memory_space<hbm>> -> memref<1x632x128xf32, #tpu.memory_space<hbm>>
        %dma_wait3A_77 = tpu.memref_squeeze %dma_wait3A_76 : memref<1x632x128xf32, #tpu.memory_space<hbm>> -> memref<632x128xf32, #tpu.memory_space<hbm>>
        %dma_wait3A_78 = arith.constant 0 : i32
        %dma_wait3A_79 = tpu.memref_slice %arg11[%mul3A_31, %dma_wait3A_78] : memref<10112x128xf32, #tpu.memory_space<vmem_shared>> -> memref<632x128xf32, #tpu.memory_space<vmem_shared>>
        tpu.wait_dma2 semaphore(%run_scoped3A_70 : memref<!tpu.dma_semaphore, #tpu.memory_space<semaphore_mem>>) src(%dma_wait3A_79 : memref<632x128xf32, #tpu.memory_space<vmem_shared>>) dst(%dma_wait3A_77 : memref<632x128xf32, #tpu.memory_space<hbm>>)
        tpu.yield
      }) : () -> ()
    } else {
    }
    %eq3A_2 = arith.constant 1 : i32
    %eq3A_3 = arith.cmpi eq, %arg0, %eq3A_2 : i32
    %convert_element_type3A_4 = arith.extui %eq3A_3 : i1 to i32
    %cond3A_5 = arith.constant 0 : i32
    %cond3A_6 = arith.cmpi ne, %convert_element_type3A_4, %cond3A_5 : i32
    scf.if %cond3A_6 {
      %run_scoped3A = arith.constant 0 : i32
      "tpu.region"() ({
        %run_scoped3A_70 = tpu.sem_alloc : memref<!tpu.dma_semaphore, #tpu.memory_space<semaphore_mem>>
        %dma_start3A_71 = arith.constant 0 : i32
        %dma_start3A_72 = arith.constant 0 : i32
        %dma_start3A_73 = tpu.memref_slice %arg5[%arg1, %run_scoped3A, %dma_start3A_71, %dma_start3A_72] : memref<16x2x40x128xi32, #tpu.memory_space<hbm>> -> memref<1x1x40x128xi32, #tpu.memory_space<hbm>>
        %dma_start3A_74 = tpu.memref_squeeze %dma_start3A_73 : memref<1x1x40x128xi32, #tpu.memory_space<hbm>> -> memref<40x128xi32, #tpu.memory_space<hbm>>
        %dma_start3A_75 = arith.constant 0 : i32
        %dma_start3A_76 = arith.constant 0 : i32
        %dma_start3A_77 = tpu.memref_slice %arg5[%arg1, %run_scoped3A, %dma_start3A_75, %dma_start3A_76] : memref<16x2x40x128xi32, #tpu.memory_space<hbm>> -> memref<1x1x40x128xi32, #tpu.memory_space<hbm>>
        %dma_start3A_78 = tpu.memref_squeeze %dma_start3A_77 : memref<1x1x40x128xi32, #tpu.memory_space<hbm>> -> memref<40x128xi32, #tpu.memory_space<hbm>>
        tpu.enqueue_dma source(%dma_start3A_78 : memref<40x128xi32, #tpu.memory_space<hbm>>) target(%arg8 : memref<40x128xi32, #tpu.memory_space<vmem>>) target_semaphore(%run_scoped3A_70 : memref<!tpu.dma_semaphore, #tpu.memory_space<semaphore_mem>>)
        %dma_wait3A = arith.constant 0 : i32
        %dma_wait3A_79 = arith.constant 0 : i32
        %dma_wait3A_80 = tpu.memref_slice %arg5[%arg1, %run_scoped3A, %dma_wait3A, %dma_wait3A_79] : memref<16x2x40x128xi32, #tpu.memory_space<hbm>> -> memref<1x1x40x128xi32, #tpu.memory_space<hbm>>
        %dma_wait3A_81 = tpu.memref_squeeze %dma_wait3A_80 : memref<1x1x40x128xi32, #tpu.memory_space<hbm>> -> memref<40x128xi32, #tpu.memory_space<hbm>>
        %dma_wait3A_82 = arith.constant 0 : i32
        %dma_wait3A_83 = arith.constant 0 : i32
        %dma_wait3A_84 = tpu.memref_slice %arg5[%arg1, %run_scoped3A, %dma_wait3A_82, %dma_wait3A_83] : memref<16x2x40x128xi32, #tpu.memory_space<hbm>> -> memref<1x1x40x128xi32, #tpu.memory_space<hbm>>
        %dma_wait3A_85 = tpu.memref_squeeze %dma_wait3A_84 : memref<1x1x40x128xi32, #tpu.memory_space<hbm>> -> memref<40x128xi32, #tpu.memory_space<hbm>>
        tpu.wait_dma2 semaphore(%run_scoped3A_70 : memref<!tpu.dma_semaphore, #tpu.memory_space<semaphore_mem>>) src(%dma_wait3A_85 : memref<40x128xi32, #tpu.memory_space<hbm>>) dst(%arg8 : memref<40x128xi32, #tpu.memory_space<vmem>>)
        tpu.yield
      }) : () -> ()
      %run_scoped3A_7 = arith.constant 0 : i32
      "tpu.region"() ({
        %run_scoped3A_70 = tpu.sem_alloc : memref<!tpu.dma_semaphore, #tpu.memory_space<semaphore_mem>>
        %dma_start3A_71 = arith.constant 0 : i32
        %dma_start3A_72 = arith.constant 0 : i32
        %dma_start3A_73 = tpu.memref_slice %arg6[%arg1, %run_scoped3A_7, %dma_start3A_71, %dma_start3A_72] : memref<16x2x40x128xi32, #tpu.memory_space<hbm>> -> memref<1x1x40x128xi32, #tpu.memory_space<hbm>>
        %dma_start3A_74 = tpu.memref_squeeze %dma_start3A_73 : memref<1x1x40x128xi32, #tpu.memory_space<hbm>> -> memref<40x128xi32, #tpu.memory_space<hbm>>
        %dma_start3A_75 = arith.constant 0 : i32
        %dma_start3A_76 = arith.constant 0 : i32
        %dma_start3A_77 = tpu.memref_slice %arg6[%arg1, %run_scoped3A_7, %dma_start3A_75, %dma_start3A_76] : memref<16x2x40x128xi32, #tpu.memory_space<hbm>> -> memref<1x1x40x128xi32, #tpu.memory_space<hbm>>
        %dma_start3A_78 = tpu.memref_squeeze %dma_start3A_77 : memref<1x1x40x128xi32, #tpu.memory_space<hbm>> -> memref<40x128xi32, #tpu.memory_space<hbm>>
        tpu.enqueue_dma source(%dma_start3A_78 : memref<40x128xi32, #tpu.memory_space<hbm>>) target(%arg9 : memref<40x128xi32, #tpu.memory_space<vmem>>) target_semaphore(%run_scoped3A_70 : memref<!tpu.dma_semaphore, #tpu.memory_space<semaphore_mem>>)
        %dma_wait3A = arith.constant 0 : i32
        %dma_wait3A_79 = arith.constant 0 : i32
        %dma_wait3A_80 = tpu.memref_slice %arg6[%arg1, %run_scoped3A_7, %dma_wait3A, %dma_wait3A_79] : memref<16x2x40x128xi32, #tpu.memory_space<hbm>> -> memref<1x1x40x128xi32, #tpu.memory_space<hbm>>
        %dma_wait3A_81 = tpu.memref_squeeze %dma_wait3A_80 : memref<1x1x40x128xi32, #tpu.memory_space<hbm>> -> memref<40x128xi32, #tpu.memory_space<hbm>>
        %dma_wait3A_82 = arith.constant 0 : i32
        %dma_wait3A_83 = arith.constant 0 : i32
        %dma_wait3A_84 = tpu.memref_slice %arg6[%arg1, %run_scoped3A_7, %dma_wait3A_82, %dma_wait3A_83] : memref<16x2x40x128xi32, #tpu.memory_space<hbm>> -> memref<1x1x40x128xi32, #tpu.memory_space<hbm>>
        %dma_wait3A_85 = tpu.memref_squeeze %dma_wait3A_84 : memref<1x1x40x128xi32, #tpu.memory_space<hbm>> -> memref<40x128xi32, #tpu.memory_space<hbm>>
        tpu.wait_dma2 semaphore(%run_scoped3A_70 : memref<!tpu.dma_semaphore, #tpu.memory_space<semaphore_mem>>) src(%dma_wait3A_85 : memref<40x128xi32, #tpu.memory_space<hbm>>) dst(%arg9 : memref<40x128xi32, #tpu.memory_space<vmem>>)
        tpu.yield
      }) : () -> ()
      %dma_start3A = arith.constant 0 : i32
      %dma_start3A_8 = arith.constant 0 : i32
      %dma_start3A_9 = arith.constant 0 : i32
      %dma_start3A_10 = arith.constant 0 : i32
      %dma_start3A_11 = tpu.memref_slice %arg10[%dma_start3A_8, %dma_start3A_9, %dma_start3A_10] : memref<2x128x128xf32, #tpu.memory_space<vmem>> -> memref<1x128x128xf32, #tpu.memory_space<vmem>>
      %dma_start3A_12 = tpu.memref_squeeze %dma_start3A_11 : memref<1x128x128xf32, #tpu.memory_space<vmem>> -> memref<128x128xf32, #tpu.memory_space<vmem>>
      %dma_start3A_13 = arith.constant 0 : i32
      %dma_start3A_14 = tpu.memref_slice %arg8[%dma_start3A, %dma_start3A_13] : memref<40x128xi32, #tpu.memory_space<vmem>> -> memref<1x128xi32, #tpu.memory_space<vmem>>
      %dma_start3A_15 = tpu.memref_squeeze %dma_start3A_14 : memref<1x128xi32, #tpu.memory_space<vmem>> -> memref<128xi32, #tpu.memory_space<vmem>>
      %dma_start3A_16 = arith.constant 0 : i32
      %dma_start3A_17 = arith.constant 0 : i32
      %dma_start3A_18 = tpu.memref_slice %arg3[%dma_start3A_16, %dma_start3A_17] : memref<10000x128xf32, #tpu.memory_space<hbm>> -> memref<10000x128xf32, #tpu.memory_space<hbm>>
      tpu.enqueue_indirect_dma source(%dma_start3A_18 : memref<10000x128xf32, #tpu.memory_space<hbm>>) target(%dma_start3A_12 : memref<128x128xf32, #tpu.memory_space<vmem>>) offsets(%dma_start3A_15 : memref<128xi32, #tpu.memory_space<vmem>>) semaphore(%arg12 : memref<!tpu.dma_semaphore, #tpu.memory_space<semaphore_mem>>)
      %dma_start3A_19 = arith.constant 1 : i32
      %dma_start3A_20 = arith.constant 1 : i32
      %dma_start3A_21 = arith.constant 0 : i32
      %dma_start3A_22 = arith.constant 0 : i32
      %dma_start3A_23 = tpu.memref_slice %arg10[%dma_start3A_20, %dma_start3A_21, %dma_start3A_22] : memref<2x128x128xf32, #tpu.memory_space<vmem>> -> memref<1x128x128xf32, #tpu.memory_space<vmem>>
      %dma_start3A_24 = tpu.memref_squeeze %dma_start3A_23 : memref<1x128x128xf32, #tpu.memory_space<vmem>> -> memref<128x128xf32, #tpu.memory_space<vmem>>
      %dma_start3A_25 = arith.constant 0 : i32
      %dma_start3A_26 = tpu.memref_slice %arg8[%dma_start3A_19, %dma_start3A_25] : memref<40x128xi32, #tpu.memory_space<vmem>> -> memref<1x128xi32, #tpu.memory_space<vmem>>
      %dma_start3A_27 = tpu.memref_squeeze %dma_start3A_26 : memref<1x128xi32, #tpu.memory_space<vmem>> -> memref<128xi32, #tpu.memory_space<vmem>>
      %dma_start3A_28 = arith.constant 0 : i32
      %dma_start3A_29 = arith.constant 0 : i32
      %dma_start3A_30 = tpu.memref_slice %arg3[%dma_start3A_28, %dma_start3A_29] : memref<10000x128xf32, #tpu.memory_space<hbm>> -> memref<10000x128xf32, #tpu.memory_space<hbm>>
      tpu.enqueue_indirect_dma source(%dma_start3A_30 : memref<10000x128xf32, #tpu.memory_space<hbm>>) target(%dma_start3A_24 : memref<128x128xf32, #tpu.memory_space<vmem>>) offsets(%dma_start3A_27 : memref<128xi32, #tpu.memory_space<vmem>>) semaphore(%arg13 : memref<!tpu.dma_semaphore, #tpu.memory_space<semaphore_mem>>)
      %mul3A = arith.constant 632 : i32
      %mul3A_31 = arith.muli %arg1, %mul3A : i32
      "tpu.region"() ({
        %run_scoped3A_70 = tpu.sem_alloc : memref<!tpu.dma_semaphore, #tpu.memory_space<semaphore_mem>>
        %dma_start3A_71 = arith.constant 0 : i32
        %dma_start3A_72 = tpu.memref_slice %arg11[%mul3A_31, %dma_start3A_71] : memref<10112x128xf32, #tpu.memory_space<vmem_shared>> -> memref<632x128xf32, #tpu.memory_space<vmem_shared>>
        tpu.enqueue_dma source(%arg4 : memref<632x128xf32, #tpu.memory_space<hbm>>) target(%dma_start3A_72 : memref<632x128xf32, #tpu.memory_space<vmem_shared>>) target_semaphore(%run_scoped3A_70 : memref<!tpu.dma_semaphore, #tpu.memory_space<semaphore_mem>>)
        %dma_wait3A = arith.constant 0 : i32
        %dma_wait3A_73 = tpu.memref_slice %arg11[%mul3A_31, %dma_wait3A] : memref<10112x128xf32, #tpu.memory_space<vmem_shared>> -> memref<632x128xf32, #tpu.memory_space<vmem_shared>>
        tpu.wait_dma2 semaphore(%run_scoped3A_70 : memref<!tpu.dma_semaphore, #tpu.memory_space<semaphore_mem>>) src(%arg4 : memref<632x128xf32, #tpu.memory_space<hbm>>) dst(%dma_wait3A_73 : memref<632x128xf32, #tpu.memory_space<vmem_shared>>)
        tpu.yield
      }) : () -> ()
      %barrier3A = arith.constant 0 : index
      tpu.barrier barrier_id(%barrier3A)
      %scan3A = arith.constant 0 : i32
      %scan3A_32 = arith.constant 0 : i32
      %scan3A_33 = arith.constant 20 : i32
      %scan3A_34 = arith.addi %scan3A_32, %scan3A_33 : i32
      %scan3A_35 = arith.constant 1 : i32
      scf.for %scan3A_70 = %scan3A_32 to %scan3A_34 step %scan3A_35  : i32 {
        %mul3A_71 = arith.constant 2 : i32
        %mul3A_72 = arith.muli %scan3A_70, %mul3A_71 : i32
        %add3A = arith.constant 0 : i32
        %add3A_73 = arith.addi %mul3A_72, %add3A : i32
        %dma_wait3A = arith.constant 0 : i32
        %dma_wait3A_74 = arith.constant 0 : i32
        %dma_wait3A_75 = arith.constant 0 : i32
        %dma_wait3A_76 = tpu.memref_slice %arg10[%dma_wait3A, %dma_wait3A_74, %dma_wait3A_75] : memref<2x128x128xf32, #tpu.memory_space<vmem>> -> memref<1x128x128xf32, #tpu.memory_space<vmem>>
        %dma_wait3A_77 = tpu.memref_squeeze %dma_wait3A_76 : memref<1x128x128xf32, #tpu.memory_space<vmem>> -> memref<128x128xf32, #tpu.memory_space<vmem>>
        %dma_wait3A_78 = arith.constant 0 : i32
        %dma_wait3A_79 = tpu.memref_slice %arg8[%add3A_73, %dma_wait3A_78] : memref<40x128xi32, #tpu.memory_space<vmem>> -> memref<1x128xi32, #tpu.memory_space<vmem>>
        %dma_wait3A_80 = tpu.memref_squeeze %dma_wait3A_79 : memref<1x128xi32, #tpu.memory_space<vmem>> -> memref<128xi32, #tpu.memory_space<vmem>>
        %dma_wait3A_81 = arith.constant 0 : i32
        %dma_wait3A_82 = arith.constant 0 : i32
        %dma_wait3A_83 = tpu.memref_slice %arg3[%dma_wait3A_81, %dma_wait3A_82] : memref<10000x128xf32, #tpu.memory_space<hbm>> -> memref<10000x128xf32, #tpu.memory_space<hbm>>
        tpu.wait_indirect_dma semaphore(%arg12 : memref<!tpu.dma_semaphore, #tpu.memory_space<semaphore_mem>>) src(%dma_wait3A_83 : memref<10000x128xf32, #tpu.memory_space<hbm>>) dst(%dma_wait3A_77 : memref<128x128xf32, #tpu.memory_space<vmem>>)
        %run_scoped3A_84 = arith.constant 0 : i32
        "tpu.region"() ({
          %run_scoped3A_112 = tpu.sem_alloc : memref<!tpu.dma_semaphore, #tpu.memory_space<semaphore_mem>>
          %dma_start3A_113 = arith.constant 0 : i32
          %dma_start3A_114 = arith.constant 0 : i32
          %dma_start3A_115 = tpu.memref_slice %arg10[%run_scoped3A_84, %dma_start3A_113, %dma_start3A_114] : memref<2x128x128xf32, #tpu.memory_space<vmem>> -> memref<1x128x128xf32, #tpu.memory_space<vmem>>
          %dma_start3A_116 = tpu.memref_squeeze %dma_start3A_115 : memref<1x128x128xf32, #tpu.memory_space<vmem>> -> memref<128x128xf32, #tpu.memory_space<vmem>>
          %dma_start3A_117 = arith.constant 0 : i32
          %dma_start3A_118 = tpu.memref_slice %arg9[%add3A_73, %dma_start3A_117] : memref<40x128xi32, #tpu.memory_space<vmem>> -> memref<1x128xi32, #tpu.memory_space<vmem>>
          %dma_start3A_119 = tpu.memref_squeeze %dma_start3A_118 : memref<1x128xi32, #tpu.memory_space<vmem>> -> memref<128xi32, #tpu.memory_space<vmem>>
          %dma_start3A_120 = arith.constant 0 : i32
          %dma_start3A_121 = arith.constant 0 : i32
          %dma_start3A_122 = tpu.memref_slice %arg11[%dma_start3A_120, %dma_start3A_121] : memref<10112x128xf32, #tpu.memory_space<vmem_shared>> -> memref<10112x128xf32, #tpu.memory_space<vmem_shared>>
          tpu.enqueue_indirect_dma source(%dma_start3A_116 : memref<128x128xf32, #tpu.memory_space<vmem>>) target(%dma_start3A_122 : memref<10112x128xf32, #tpu.memory_space<vmem_shared>>) offsets(%dma_start3A_119 : memref<128xi32, #tpu.memory_space<vmem>>) semaphore(%run_scoped3A_112 : memref<!tpu.dma_semaphore, #tpu.memory_space<semaphore_mem>>) {add = true}
          %dma_wait3A_123 = arith.constant 0 : i32
          %dma_wait3A_124 = arith.constant 0 : i32
          %dma_wait3A_125 = tpu.memref_slice %arg10[%run_scoped3A_84, %dma_wait3A_123, %dma_wait3A_124] : memref<2x128x128xf32, #tpu.memory_space<vmem>> -> memref<1x128x128xf32, #tpu.memory_space<vmem>>
          %dma_wait3A_126 = tpu.memref_squeeze %dma_wait3A_125 : memref<1x128x128xf32, #tpu.memory_space<vmem>> -> memref<128x128xf32, #tpu.memory_space<vmem>>
          %dma_wait3A_127 = arith.constant 0 : i32
          %dma_wait3A_128 = tpu.memref_slice %arg9[%add3A_73, %dma_wait3A_127] : memref<40x128xi32, #tpu.memory_space<vmem>> -> memref<1x128xi32, #tpu.memory_space<vmem>>
          %dma_wait3A_129 = tpu.memref_squeeze %dma_wait3A_128 : memref<1x128xi32, #tpu.memory_space<vmem>> -> memref<128xi32, #tpu.memory_space<vmem>>
          %dma_wait3A_130 = arith.constant 0 : i32
          %dma_wait3A_131 = arith.constant 0 : i32
          %dma_wait3A_132 = tpu.memref_slice %arg11[%dma_wait3A_130, %dma_wait3A_131] : memref<10112x128xf32, #tpu.memory_space<vmem_shared>> -> memref<10112x128xf32, #tpu.memory_space<vmem_shared>>
          tpu.wait_indirect_dma semaphore(%run_scoped3A_112 : memref<!tpu.dma_semaphore, #tpu.memory_space<semaphore_mem>>) src(%dma_wait3A_126 : memref<128x128xf32, #tpu.memory_space<vmem>>) dst(%dma_wait3A_132 : memref<10112x128xf32, #tpu.memory_space<vmem_shared>>)
          tpu.yield
        }) : () -> ()
        %add3A_85 = arith.constant 2 : i32
        %add3A_86 = arith.addi %add3A_73, %add3A_85 : i32
        %lt3A = arith.constant 40 : i32
        %lt3A_87 = arith.cmpi slt, %add3A_86, %lt3A : i32
        %convert_element_type3A_88 = arith.extui %lt3A_87 : i1 to i32
        %cond3A_89 = arith.constant 0 : i32
        %cond3A_90 = arith.cmpi ne, %convert_element_type3A_88, %cond3A_89 : i32
        scf.if %cond3A_90 {
          %add3A_112 = arith.constant 2 : i32
          %add3A_113 = arith.addi %add3A_73, %add3A_112 : i32
          %dma_start3A_114 = arith.constant 0 : i32
          %dma_start3A_115 = arith.constant 0 : i32
          %dma_start3A_116 = arith.constant 0 : i32
          %dma_start3A_117 = tpu.memref_slice %arg10[%dma_start3A_114, %dma_start3A_115, %dma_start3A_116] : memref<2x128x128xf32, #tpu.memory_space<vmem>> -> memref<1x128x128xf32, #tpu.memory_space<vmem>>
          %dma_start3A_118 = tpu.memref_squeeze %dma_start3A_117 : memref<1x128x128xf32, #tpu.memory_space<vmem>> -> memref<128x128xf32, #tpu.memory_space<vmem>>
          %dma_start3A_119 = arith.constant 0 : i32
          %dma_start3A_120 = tpu.memref_slice %arg8[%add3A_113, %dma_start3A_119] : memref<40x128xi32, #tpu.memory_space<vmem>> -> memref<1x128xi32, #tpu.memory_space<vmem>>
          %dma_start3A_121 = tpu.memref_squeeze %dma_start3A_120 : memref<1x128xi32, #tpu.memory_space<vmem>> -> memref<128xi32, #tpu.memory_space<vmem>>
          %dma_start3A_122 = arith.constant 0 : i32
          %dma_start3A_123 = arith.constant 0 : i32
          %dma_start3A_124 = tpu.memref_slice %arg3[%dma_start3A_122, %dma_start3A_123] : memref<10000x128xf32, #tpu.memory_space<hbm>> -> memref<10000x128xf32, #tpu.memory_space<hbm>>
          tpu.enqueue_indirect_dma source(%dma_start3A_124 : memref<10000x128xf32, #tpu.memory_space<hbm>>) target(%dma_start3A_118 : memref<128x128xf32, #tpu.memory_space<vmem>>) offsets(%dma_start3A_121 : memref<128xi32, #tpu.memory_space<vmem>>) semaphore(%arg12 : memref<!tpu.dma_semaphore, #tpu.memory_space<semaphore_mem>>)
        } else {
        }
        %add3A_91 = arith.constant 1 : i32
        %add3A_92 = arith.addi %mul3A_72, %add3A_91 : i32
        %dma_wait3A_93 = arith.constant 1 : i32
        %dma_wait3A_94 = arith.constant 0 : i32
        %dma_wait3A_95 = arith.constant 0 : i32
        %dma_wait3A_96 = tpu.memref_slice %arg10[%dma_wait3A_93, %dma_wait3A_94, %dma_wait3A_95] : memref<2x128x128xf32, #tpu.memory_space<vmem>> -> memref<1x128x128xf32, #tpu.memory_space<vmem>>
        %dma_wait3A_97 = tpu.memref_squeeze %dma_wait3A_96 : memref<1x128x128xf32, #tpu.memory_space<vmem>> -> memref<128x128xf32, #tpu.memory_space<vmem>>
        %dma_wait3A_98 = arith.constant 0 : i32
        %dma_wait3A_99 = tpu.memref_slice %arg8[%add3A_92, %dma_wait3A_98] : memref<40x128xi32, #tpu.memory_space<vmem>> -> memref<1x128xi32, #tpu.memory_space<vmem>>
        %dma_wait3A_100 = tpu.memref_squeeze %dma_wait3A_99 : memref<1x128xi32, #tpu.memory_space<vmem>> -> memref<128xi32, #tpu.memory_space<vmem>>
        %dma_wait3A_101 = arith.constant 0 : i32
        %dma_wait3A_102 = arith.constant 0 : i32
        %dma_wait3A_103 = tpu.memref_slice %arg3[%dma_wait3A_101, %dma_wait3A_102] : memref<10000x128xf32, #tpu.memory_space<hbm>> -> memref<10000x128xf32, #tpu.memory_space<hbm>>
        tpu.wait_indirect_dma semaphore(%arg13 : memref<!tpu.dma_semaphore, #tpu.memory_space<semaphore_mem>>) src(%dma_wait3A_103 : memref<10000x128xf32, #tpu.memory_space<hbm>>) dst(%dma_wait3A_97 : memref<128x128xf32, #tpu.memory_space<vmem>>)
        %run_scoped3A_104 = arith.constant 1 : i32
        "tpu.region"() ({
          %run_scoped3A_112 = tpu.sem_alloc : memref<!tpu.dma_semaphore, #tpu.memory_space<semaphore_mem>>
          %dma_start3A_113 = arith.constant 0 : i32
          %dma_start3A_114 = arith.constant 0 : i32
          %dma_start3A_115 = tpu.memref_slice %arg10[%run_scoped3A_104, %dma_start3A_113, %dma_start3A_114] : memref<2x128x128xf32, #tpu.memory_space<vmem>> -> memref<1x128x128xf32, #tpu.memory_space<vmem>>
          %dma_start3A_116 = tpu.memref_squeeze %dma_start3A_115 : memref<1x128x128xf32, #tpu.memory_space<vmem>> -> memref<128x128xf32, #tpu.memory_space<vmem>>
          %dma_start3A_117 = arith.constant 0 : i32
          %dma_start3A_118 = tpu.memref_slice %arg9[%add3A_92, %dma_start3A_117] : memref<40x128xi32, #tpu.memory_space<vmem>> -> memref<1x128xi32, #tpu.memory_space<vmem>>
          %dma_start3A_119 = tpu.memref_squeeze %dma_start3A_118 : memref<1x128xi32, #tpu.memory_space<vmem>> -> memref<128xi32, #tpu.memory_space<vmem>>
          %dma_start3A_120 = arith.constant 0 : i32
          %dma_start3A_121 = arith.constant 0 : i32
          %dma_start3A_122 = tpu.memref_slice %arg11[%dma_start3A_120, %dma_start3A_121] : memref<10112x128xf32, #tpu.memory_space<vmem_shared>> -> memref<10112x128xf32, #tpu.memory_space<vmem_shared>>
          tpu.enqueue_indirect_dma source(%dma_start3A_116 : memref<128x128xf32, #tpu.memory_space<vmem>>) target(%dma_start3A_122 : memref<10112x128xf32, #tpu.memory_space<vmem_shared>>) offsets(%dma_start3A_119 : memref<128xi32, #tpu.memory_space<vmem>>) semaphore(%run_scoped3A_112 : memref<!tpu.dma_semaphore, #tpu.memory_space<semaphore_mem>>) {add = true}
          %dma_wait3A_123 = arith.constant 0 : i32
          %dma_wait3A_124 = arith.constant 0 : i32
          %dma_wait3A_125 = tpu.memref_slice %arg10[%run_scoped3A_104, %dma_wait3A_123, %dma_wait3A_124] : memref<2x128x128xf32, #tpu.memory_space<vmem>> -> memref<1x128x128xf32, #tpu.memory_space<vmem>>
          %dma_wait3A_126 = tpu.memref_squeeze %dma_wait3A_125 : memref<1x128x128xf32, #tpu.memory_space<vmem>> -> memref<128x128xf32, #tpu.memory_space<vmem>>
          %dma_wait3A_127 = arith.constant 0 : i32
          %dma_wait3A_128 = tpu.memref_slice %arg9[%add3A_92, %dma_wait3A_127] : memref<40x128xi32, #tpu.memory_space<vmem>> -> memref<1x128xi32, #tpu.memory_space<vmem>>
          %dma_wait3A_129 = tpu.memref_squeeze %dma_wait3A_128 : memref<1x128xi32, #tpu.memory_space<vmem>> -> memref<128xi32, #tpu.memory_space<vmem>>
          %dma_wait3A_130 = arith.constant 0 : i32
          %dma_wait3A_131 = arith.constant 0 : i32
          %dma_wait3A_132 = tpu.memref_slice %arg11[%dma_wait3A_130, %dma_wait3A_131] : memref<10112x128xf32, #tpu.memory_space<vmem_shared>> -> memref<10112x128xf32, #tpu.memory_space<vmem_shared>>
          tpu.wait_indirect_dma semaphore(%run_scoped3A_112 : memref<!tpu.dma_semaphore, #tpu.memory_space<semaphore_mem>>) src(%dma_wait3A_126 : memref<128x128xf32, #tpu.memory_space<vmem>>) dst(%dma_wait3A_132 : memref<10112x128xf32, #tpu.memory_space<vmem_shared>>)
          tpu.yield
        }) : () -> ()
        %add3A_105 = arith.constant 2 : i32
        %add3A_106 = arith.addi %add3A_92, %add3A_105 : i32
        %lt3A_107 = arith.constant 40 : i32
        %lt3A_108 = arith.cmpi slt, %add3A_106, %lt3A_107 : i32
        %convert_element_type3A_109 = arith.extui %lt3A_108 : i1 to i32
        %cond3A_110 = arith.constant 0 : i32
        %cond3A_111 = arith.cmpi ne, %convert_element_type3A_109, %cond3A_110 : i32
        scf.if %cond3A_111 {
          %add3A_112 = arith.constant 2 : i32
          %add3A_113 = arith.addi %add3A_92, %add3A_112 : i32
          %dma_start3A_114 = arith.constant 1 : i32
          %dma_start3A_115 = arith.constant 0 : i32
          %dma_start3A_116 = arith.constant 0 : i32
          %dma_start3A_117 = tpu.memref_slice %arg10[%dma_start3A_114, %dma_start3A_115, %dma_start3A_116] : memref<2x128x128xf32, #tpu.memory_space<vmem>> -> memref<1x128x128xf32, #tpu.memory_space<vmem>>
          %dma_start3A_118 = tpu.memref_squeeze %dma_start3A_117 : memref<1x128x128xf32, #tpu.memory_space<vmem>> -> memref<128x128xf32, #tpu.memory_space<vmem>>
          %dma_start3A_119 = arith.constant 0 : i32
          %dma_start3A_120 = tpu.memref_slice %arg8[%add3A_113, %dma_start3A_119] : memref<40x128xi32, #tpu.memory_space<vmem>> -> memref<1x128xi32, #tpu.memory_space<vmem>>
          %dma_start3A_121 = tpu.memref_squeeze %dma_start3A_120 : memref<1x128xi32, #tpu.memory_space<vmem>> -> memref<128xi32, #tpu.memory_space<vmem>>
          %dma_start3A_122 = arith.constant 0 : i32
          %dma_start3A_123 = arith.constant 0 : i32
          %dma_start3A_124 = tpu.memref_slice %arg3[%dma_start3A_122, %dma_start3A_123] : memref<10000x128xf32, #tpu.memory_space<hbm>> -> memref<10000x128xf32, #tpu.memory_space<hbm>>
          tpu.enqueue_indirect_dma source(%dma_start3A_124 : memref<10000x128xf32, #tpu.memory_space<hbm>>) target(%dma_start3A_118 : memref<128x128xf32, #tpu.memory_space<vmem>>) offsets(%dma_start3A_121 : memref<128xi32, #tpu.memory_space<vmem>>) semaphore(%arg13 : memref<!tpu.dma_semaphore, #tpu.memory_space<semaphore_mem>>)
        } else {
        }
      }
      %scan3A_36 = arith.constant 20 : i32
      %run_scoped3A_37 = arith.constant 1 : i32
      "tpu.region"() ({
        %run_scoped3A_70 = tpu.sem_alloc : memref<!tpu.dma_semaphore, #tpu.memory_space<semaphore_mem>>
        %dma_start3A_71 = arith.constant 0 : i32
        %dma_start3A_72 = arith.constant 0 : i32
        %dma_start3A_73 = tpu.memref_slice %arg5[%arg1, %run_scoped3A_37, %dma_start3A_71, %dma_start3A_72] : memref<16x2x40x128xi32, #tpu.memory_space<hbm>> -> memref<1x1x40x128xi32, #tpu.memory_space<hbm>>
        %dma_start3A_74 = tpu.memref_squeeze %dma_start3A_73 : memref<1x1x40x128xi32, #tpu.memory_space<hbm>> -> memref<40x128xi32, #tpu.memory_space<hbm>>
        %dma_start3A_75 = arith.constant 0 : i32
        %dma_start3A_76 = arith.constant 0 : i32
        %dma_start3A_77 = tpu.memref_slice %arg5[%arg1, %run_scoped3A_37, %dma_start3A_75, %dma_start3A_76] : memref<16x2x40x128xi32, #tpu.memory_space<hbm>> -> memref<1x1x40x128xi32, #tpu.memory_space<hbm>>
        %dma_start3A_78 = tpu.memref_squeeze %dma_start3A_77 : memref<1x1x40x128xi32, #tpu.memory_space<hbm>> -> memref<40x128xi32, #tpu.memory_space<hbm>>
        tpu.enqueue_dma source(%dma_start3A_78 : memref<40x128xi32, #tpu.memory_space<hbm>>) target(%arg8 : memref<40x128xi32, #tpu.memory_space<vmem>>) target_semaphore(%run_scoped3A_70 : memref<!tpu.dma_semaphore, #tpu.memory_space<semaphore_mem>>)
        %dma_wait3A = arith.constant 0 : i32
        %dma_wait3A_79 = arith.constant 0 : i32
        %dma_wait3A_80 = tpu.memref_slice %arg5[%arg1, %run_scoped3A_37, %dma_wait3A, %dma_wait3A_79] : memref<16x2x40x128xi32, #tpu.memory_space<hbm>> -> memref<1x1x40x128xi32, #tpu.memory_space<hbm>>
        %dma_wait3A_81 = tpu.memref_squeeze %dma_wait3A_80 : memref<1x1x40x128xi32, #tpu.memory_space<hbm>> -> memref<40x128xi32, #tpu.memory_space<hbm>>
        %dma_wait3A_82 = arith.constant 0 : i32
        %dma_wait3A_83 = arith.constant 0 : i32
        %dma_wait3A_84 = tpu.memref_slice %arg5[%arg1, %run_scoped3A_37, %dma_wait3A_82, %dma_wait3A_83] : memref<16x2x40x128xi32, #tpu.memory_space<hbm>> -> memref<1x1x40x128xi32, #tpu.memory_space<hbm>>
        %dma_wait3A_85 = tpu.memref_squeeze %dma_wait3A_84 : memref<1x1x40x128xi32, #tpu.memory_space<hbm>> -> memref<40x128xi32, #tpu.memory_space<hbm>>
        tpu.wait_dma2 semaphore(%run_scoped3A_70 : memref<!tpu.dma_semaphore, #tpu.memory_space<semaphore_mem>>) src(%dma_wait3A_85 : memref<40x128xi32, #tpu.memory_space<hbm>>) dst(%arg8 : memref<40x128xi32, #tpu.memory_space<vmem>>)
        tpu.yield
      }) : () -> ()
      %run_scoped3A_38 = arith.constant 1 : i32
      "tpu.region"() ({
        %run_scoped3A_70 = tpu.sem_alloc : memref<!tpu.dma_semaphore, #tpu.memory_space<semaphore_mem>>
        %dma_start3A_71 = arith.constant 0 : i32
        %dma_start3A_72 = arith.constant 0 : i32
        %dma_start3A_73 = tpu.memref_slice %arg6[%arg1, %run_scoped3A_38, %dma_start3A_71, %dma_start3A_72] : memref<16x2x40x128xi32, #tpu.memory_space<hbm>> -> memref<1x1x40x128xi32, #tpu.memory_space<hbm>>
        %dma_start3A_74 = tpu.memref_squeeze %dma_start3A_73 : memref<1x1x40x128xi32, #tpu.memory_space<hbm>> -> memref<40x128xi32, #tpu.memory_space<hbm>>
        %dma_start3A_75 = arith.constant 0 : i32
        %dma_start3A_76 = arith.constant 0 : i32
        %dma_start3A_77 = tpu.memref_slice %arg6[%arg1, %run_scoped3A_38, %dma_start3A_75, %dma_start3A_76] : memref<16x2x40x128xi32, #tpu.memory_space<hbm>> -> memref<1x1x40x128xi32, #tpu.memory_space<hbm>>
        %dma_start3A_78 = tpu.memref_squeeze %dma_start3A_77 : memref<1x1x40x128xi32, #tpu.memory_space<hbm>> -> memref<40x128xi32, #tpu.memory_space<hbm>>
        tpu.enqueue_dma source(%dma_start3A_78 : memref<40x128xi32, #tpu.memory_space<hbm>>) target(%arg9 : memref<40x128xi32, #tpu.memory_space<vmem>>) target_semaphore(%run_scoped3A_70 : memref<!tpu.dma_semaphore, #tpu.memory_space<semaphore_mem>>)
        %dma_wait3A = arith.constant 0 : i32
        %dma_wait3A_79 = arith.constant 0 : i32
        %dma_wait3A_80 = tpu.memref_slice %arg6[%arg1, %run_scoped3A_38, %dma_wait3A, %dma_wait3A_79] : memref<16x2x40x128xi32, #tpu.memory_space<hbm>> -> memref<1x1x40x128xi32, #tpu.memory_space<hbm>>
        %dma_wait3A_81 = tpu.memref_squeeze %dma_wait3A_80 : memref<1x1x40x128xi32, #tpu.memory_space<hbm>> -> memref<40x128xi32, #tpu.memory_space<hbm>>
        %dma_wait3A_82 = arith.constant 0 : i32
        %dma_wait3A_83 = arith.constant 0 : i32
        %dma_wait3A_84 = tpu.memref_slice %arg6[%arg1, %run_scoped3A_38, %dma_wait3A_82, %dma_wait3A_83] : memref<16x2x40x128xi32, #tpu.memory_space<hbm>> -> memref<1x1x40x128xi32, #tpu.memory_space<hbm>>
        %dma_wait3A_85 = tpu.memref_squeeze %dma_wait3A_84 : memref<1x1x40x128xi32, #tpu.memory_space<hbm>> -> memref<40x128xi32, #tpu.memory_space<hbm>>
        tpu.wait_dma2 semaphore(%run_scoped3A_70 : memref<!tpu.dma_semaphore, #tpu.memory_space<semaphore_mem>>) src(%dma_wait3A_85 : memref<40x128xi32, #tpu.memory_space<hbm>>) dst(%arg9 : memref<40x128xi32, #tpu.memory_space<vmem>>)
        tpu.yield
      }) : () -> ()
      %dma_start3A_39 = arith.constant 0 : i32
      %dma_start3A_40 = arith.constant 0 : i32
      %dma_start3A_41 = arith.constant 0 : i32
      %dma_start3A_42 = arith.constant 0 : i32
      %dma_start3A_43 = tpu.memref_slice %arg10[%dma_start3A_40, %dma_start3A_41, %dma_start3A_42] : memref<2x128x128xf32, #tpu.memory_space<vmem>> -> memref<1x128x128xf32, #tpu.memory_space<vmem>>
      %dma_start3A_44 = tpu.memref_squeeze %dma_start3A_43 : memref<1x128x128xf32, #tpu.memory_space<vmem>> -> memref<128x128xf32, #tpu.memory_space<vmem>>
      %dma_start3A_45 = arith.constant 0 : i32
      %dma_start3A_46 = tpu.memref_slice %arg8[%dma_start3A_39, %dma_start3A_45] : memref<40x128xi32, #tpu.memory_space<vmem>> -> memref<1x128xi32, #tpu.memory_space<vmem>>
      %dma_start3A_47 = tpu.memref_squeeze %dma_start3A_46 : memref<1x128xi32, #tpu.memory_space<vmem>> -> memref<128xi32, #tpu.memory_space<vmem>>
      %dma_start3A_48 = arith.constant 0 : i32
      %dma_start3A_49 = arith.constant 0 : i32
      %dma_start3A_50 = tpu.memref_slice %arg3[%dma_start3A_48, %dma_start3A_49] : memref<10000x128xf32, #tpu.memory_space<hbm>> -> memref<10000x128xf32, #tpu.memory_space<hbm>>
      tpu.enqueue_indirect_dma source(%dma_start3A_50 : memref<10000x128xf32, #tpu.memory_space<hbm>>) target(%dma_start3A_44 : memref<128x128xf32, #tpu.memory_space<vmem>>) offsets(%dma_start3A_47 : memref<128xi32, #tpu.memory_space<vmem>>) semaphore(%arg12 : memref<!tpu.dma_semaphore, #tpu.memory_space<semaphore_mem>>)
      %dma_start3A_51 = arith.constant 1 : i32
      %dma_start3A_52 = arith.constant 1 : i32
      %dma_start3A_53 = arith.constant 0 : i32
      %dma_start3A_54 = arith.constant 0 : i32
      %dma_start3A_55 = tpu.memref_slice %arg10[%dma_start3A_52, %dma_start3A_53, %dma_start3A_54] : memref<2x128x128xf32, #tpu.memory_space<vmem>> -> memref<1x128x128xf32, #tpu.memory_space<vmem>>
      %dma_start3A_56 = tpu.memref_squeeze %dma_start3A_55 : memref<1x128x128xf32, #tpu.memory_space<vmem>> -> memref<128x128xf32, #tpu.memory_space<vmem>>
      %dma_start3A_57 = arith.constant 0 : i32
      %dma_start3A_58 = tpu.memref_slice %arg8[%dma_start3A_51, %dma_start3A_57] : memref<40x128xi32, #tpu.memory_space<vmem>> -> memref<1x128xi32, #tpu.memory_space<vmem>>
      %dma_start3A_59 = tpu.memref_squeeze %dma_start3A_58 : memref<1x128xi32, #tpu.memory_space<vmem>> -> memref<128xi32, #tpu.memory_space<vmem>>
      %dma_start3A_60 = arith.constant 0 : i32
      %dma_start3A_61 = arith.constant 0 : i32
      %dma_start3A_62 = tpu.memref_slice %arg3[%dma_start3A_60, %dma_start3A_61] : memref<10000x128xf32, #tpu.memory_space<hbm>> -> memref<10000x128xf32, #tpu.memory_space<hbm>>
      tpu.enqueue_indirect_dma source(%dma_start3A_62 : memref<10000x128xf32, #tpu.memory_space<hbm>>) target(%dma_start3A_56 : memref<128x128xf32, #tpu.memory_space<vmem>>) offsets(%dma_start3A_59 : memref<128xi32, #tpu.memory_space<vmem>>) semaphore(%arg13 : memref<!tpu.dma_semaphore, #tpu.memory_space<semaphore_mem>>)
      %scan3A_63 = arith.constant 0 : i32
      %scan3A_64 = arith.constant 0 : i32
      %scan3A_65 = arith.constant 20 : i32
      %scan3A_66 = arith.addi %scan3A_64, %scan3A_65 : i32
      %scan3A_67 = arith.constant 1 : i32
      scf.for %scan3A_70 = %scan3A_64 to %scan3A_66 step %scan3A_67  : i32 {
        %mul3A_71 = arith.constant 2 : i32
        %mul3A_72 = arith.muli %scan3A_70, %mul3A_71 : i32
        %add3A = arith.constant 0 : i32
        %add3A_73 = arith.addi %mul3A_72, %add3A : i32
        %dma_wait3A = arith.constant 0 : i32
        %dma_wait3A_74 = arith.constant 0 : i32
        %dma_wait3A_75 = arith.constant 0 : i32
        %dma_wait3A_76 = tpu.memref_slice %arg10[%dma_wait3A, %dma_wait3A_74, %dma_wait3A_75] : memref<2x128x128xf32, #tpu.memory_space<vmem>> -> memref<1x128x128xf32, #tpu.memory_space<vmem>>
        %dma_wait3A_77 = tpu.memref_squeeze %dma_wait3A_76 : memref<1x128x128xf32, #tpu.memory_space<vmem>> -> memref<128x128xf32, #tpu.memory_space<vmem>>
        %dma_wait3A_78 = arith.constant 0 : i32
        %dma_wait3A_79 = tpu.memref_slice %arg8[%add3A_73, %dma_wait3A_78] : memref<40x128xi32, #tpu.memory_space<vmem>> -> memref<1x128xi32, #tpu.memory_space<vmem>>
        %dma_wait3A_80 = tpu.memref_squeeze %dma_wait3A_79 : memref<1x128xi32, #tpu.memory_space<vmem>> -> memref<128xi32, #tpu.memory_space<vmem>>
        %dma_wait3A_81 = arith.constant 0 : i32
        %dma_wait3A_82 = arith.constant 0 : i32
        %dma_wait3A_83 = tpu.memref_slice %arg3[%dma_wait3A_81, %dma_wait3A_82] : memref<10000x128xf32, #tpu.memory_space<hbm>> -> memref<10000x128xf32, #tpu.memory_space<hbm>>
        tpu.wait_indirect_dma semaphore(%arg12 : memref<!tpu.dma_semaphore, #tpu.memory_space<semaphore_mem>>) src(%dma_wait3A_83 : memref<10000x128xf32, #tpu.memory_space<hbm>>) dst(%dma_wait3A_77 : memref<128x128xf32, #tpu.memory_space<vmem>>)
        %run_scoped3A_84 = arith.constant 0 : i32
        "tpu.region"() ({
          %run_scoped3A_112 = tpu.sem_alloc : memref<!tpu.dma_semaphore, #tpu.memory_space<semaphore_mem>>
          %dma_start3A_113 = arith.constant 0 : i32
          %dma_start3A_114 = arith.constant 0 : i32
          %dma_start3A_115 = tpu.memref_slice %arg10[%run_scoped3A_84, %dma_start3A_113, %dma_start3A_114] : memref<2x128x128xf32, #tpu.memory_space<vmem>> -> memref<1x128x128xf32, #tpu.memory_space<vmem>>
          %dma_start3A_116 = tpu.memref_squeeze %dma_start3A_115 : memref<1x128x128xf32, #tpu.memory_space<vmem>> -> memref<128x128xf32, #tpu.memory_space<vmem>>
          %dma_start3A_117 = arith.constant 0 : i32
          %dma_start3A_118 = tpu.memref_slice %arg9[%add3A_73, %dma_start3A_117] : memref<40x128xi32, #tpu.memory_space<vmem>> -> memref<1x128xi32, #tpu.memory_space<vmem>>
          %dma_start3A_119 = tpu.memref_squeeze %dma_start3A_118 : memref<1x128xi32, #tpu.memory_space<vmem>> -> memref<128xi32, #tpu.memory_space<vmem>>
          %dma_start3A_120 = arith.constant 0 : i32
          %dma_start3A_121 = arith.constant 0 : i32
          %dma_start3A_122 = tpu.memref_slice %arg11[%dma_start3A_120, %dma_start3A_121] : memref<10112x128xf32, #tpu.memory_space<vmem_shared>> -> memref<10112x128xf32, #tpu.memory_space<vmem_shared>>
          tpu.enqueue_indirect_dma source(%dma_start3A_116 : memref<128x128xf32, #tpu.memory_space<vmem>>) target(%dma_start3A_122 : memref<10112x128xf32, #tpu.memory_space<vmem_shared>>) offsets(%dma_start3A_119 : memref<128xi32, #tpu.memory_space<vmem>>) semaphore(%run_scoped3A_112 : memref<!tpu.dma_semaphore, #tpu.memory_space<semaphore_mem>>) {add = true}
          %dma_wait3A_123 = arith.constant 0 : i32
          %dma_wait3A_124 = arith.constant 0 : i32
          %dma_wait3A_125 = tpu.memref_slice %arg10[%run_scoped3A_84, %dma_wait3A_123, %dma_wait3A_124] : memref<2x128x128xf32, #tpu.memory_space<vmem>> -> memref<1x128x128xf32, #tpu.memory_space<vmem>>
          %dma_wait3A_126 = tpu.memref_squeeze %dma_wait3A_125 : memref<1x128x128xf32, #tpu.memory_space<vmem>> -> memref<128x128xf32, #tpu.memory_space<vmem>>
          %dma_wait3A_127 = arith.constant 0 : i32
          %dma_wait3A_128 = tpu.memref_slice %arg9[%add3A_73, %dma_wait3A_127] : memref<40x128xi32, #tpu.memory_space<vmem>> -> memref<1x128xi32, #tpu.memory_space<vmem>>
          %dma_wait3A_129 = tpu.memref_squeeze %dma_wait3A_128 : memref<1x128xi32, #tpu.memory_space<vmem>> -> memref<128xi32, #tpu.memory_space<vmem>>
          %dma_wait3A_130 = arith.constant 0 : i32
          %dma_wait3A_131 = arith.constant 0 : i32
          %dma_wait3A_132 = tpu.memref_slice %arg11[%dma_wait3A_130, %dma_wait3A_131] : memref<10112x128xf32, #tpu.memory_space<vmem_shared>> -> memref<10112x128xf32, #tpu.memory_space<vmem_shared>>
          tpu.wait_indirect_dma semaphore(%run_scoped3A_112 : memref<!tpu.dma_semaphore, #tpu.memory_space<semaphore_mem>>) src(%dma_wait3A_126 : memref<128x128xf32, #tpu.memory_space<vmem>>) dst(%dma_wait3A_132 : memref<10112x128xf32, #tpu.memory_space<vmem_shared>>)
          tpu.yield
        }) : () -> ()
        %add3A_85 = arith.constant 2 : i32
        %add3A_86 = arith.addi %add3A_73, %add3A_85 : i32
        %lt3A = arith.constant 40 : i32
        %lt3A_87 = arith.cmpi slt, %add3A_86, %lt3A : i32
        %convert_element_type3A_88 = arith.extui %lt3A_87 : i1 to i32
        %cond3A_89 = arith.constant 0 : i32
        %cond3A_90 = arith.cmpi ne, %convert_element_type3A_88, %cond3A_89 : i32
        scf.if %cond3A_90 {
          %add3A_112 = arith.constant 2 : i32
          %add3A_113 = arith.addi %add3A_73, %add3A_112 : i32
          %dma_start3A_114 = arith.constant 0 : i32
          %dma_start3A_115 = arith.constant 0 : i32
          %dma_start3A_116 = arith.constant 0 : i32
          %dma_start3A_117 = tpu.memref_slice %arg10[%dma_start3A_114, %dma_start3A_115, %dma_start3A_116] : memref<2x128x128xf32, #tpu.memory_space<vmem>> -> memref<1x128x128xf32, #tpu.memory_space<vmem>>
          %dma_start3A_118 = tpu.memref_squeeze %dma_start3A_117 : memref<1x128x128xf32, #tpu.memory_space<vmem>> -> memref<128x128xf32, #tpu.memory_space<vmem>>
          %dma_start3A_119 = arith.constant 0 : i32
          %dma_start3A_120 = tpu.memref_slice %arg8[%add3A_113, %dma_start3A_119] : memref<40x128xi32, #tpu.memory_space<vmem>> -> memref<1x128xi32, #tpu.memory_space<vmem>>
          %dma_start3A_121 = tpu.memref_squeeze %dma_start3A_120 : memref<1x128xi32, #tpu.memory_space<vmem>> -> memref<128xi32, #tpu.memory_space<vmem>>
          %dma_start3A_122 = arith.constant 0 : i32
          %dma_start3A_123 = arith.constant 0 : i32
          %dma_start3A_124 = tpu.memref_slice %arg3[%dma_start3A_122, %dma_start3A_123] : memref<10000x128xf32, #tpu.memory_space<hbm>> -> memref<10000x128xf32, #tpu.memory_space<hbm>>
          tpu.enqueue_indirect_dma source(%dma_start3A_124 : memref<10000x128xf32, #tpu.memory_space<hbm>>) target(%dma_start3A_118 : memref<128x128xf32, #tpu.memory_space<vmem>>) offsets(%dma_start3A_121 : memref<128xi32, #tpu.memory_space<vmem>>) semaphore(%arg12 : memref<!tpu.dma_semaphore, #tpu.memory_space<semaphore_mem>>)
        } else {
        }
        %add3A_91 = arith.constant 1 : i32
        %add3A_92 = arith.addi %mul3A_72, %add3A_91 : i32
        %dma_wait3A_93 = arith.constant 1 : i32
        %dma_wait3A_94 = arith.constant 0 : i32
        %dma_wait3A_95 = arith.constant 0 : i32
        %dma_wait3A_96 = tpu.memref_slice %arg10[%dma_wait3A_93, %dma_wait3A_94, %dma_wait3A_95] : memref<2x128x128xf32, #tpu.memory_space<vmem>> -> memref<1x128x128xf32, #tpu.memory_space<vmem>>
        %dma_wait3A_97 = tpu.memref_squeeze %dma_wait3A_96 : memref<1x128x128xf32, #tpu.memory_space<vmem>> -> memref<128x128xf32, #tpu.memory_space<vmem>>
        %dma_wait3A_98 = arith.constant 0 : i32
        %dma_wait3A_99 = tpu.memref_slice %arg8[%add3A_92, %dma_wait3A_98] : memref<40x128xi32, #tpu.memory_space<vmem>> -> memref<1x128xi32, #tpu.memory_space<vmem>>
        %dma_wait3A_100 = tpu.memref_squeeze %dma_wait3A_99 : memref<1x128xi32, #tpu.memory_space<vmem>> -> memref<128xi32, #tpu.memory_space<vmem>>
        %dma_wait3A_101 = arith.constant 0 : i32
        %dma_wait3A_102 = arith.constant 0 : i32
        %dma_wait3A_103 = tpu.memref_slice %arg3[%dma_wait3A_101, %dma_wait3A_102] : memref<10000x128xf32, #tpu.memory_space<hbm>> -> memref<10000x128xf32, #tpu.memory_space<hbm>>
        tpu.wait_indirect_dma semaphore(%arg13 : memref<!tpu.dma_semaphore, #tpu.memory_space<semaphore_mem>>) src(%dma_wait3A_103 : memref<10000x128xf32, #tpu.memory_space<hbm>>) dst(%dma_wait3A_97 : memref<128x128xf32, #tpu.memory_space<vmem>>)
        %run_scoped3A_104 = arith.constant 1 : i32
        "tpu.region"() ({
          %run_scoped3A_112 = tpu.sem_alloc : memref<!tpu.dma_semaphore, #tpu.memory_space<semaphore_mem>>
          %dma_start3A_113 = arith.constant 0 : i32
          %dma_start3A_114 = arith.constant 0 : i32
          %dma_start3A_115 = tpu.memref_slice %arg10[%run_scoped3A_104, %dma_start3A_113, %dma_start3A_114] : memref<2x128x128xf32, #tpu.memory_space<vmem>> -> memref<1x128x128xf32, #tpu.memory_space<vmem>>
          %dma_start3A_116 = tpu.memref_squeeze %dma_start3A_115 : memref<1x128x128xf32, #tpu.memory_space<vmem>> -> memref<128x128xf32, #tpu.memory_space<vmem>>
          %dma_start3A_117 = arith.constant 0 : i32
          %dma_start3A_118 = tpu.memref_slice %arg9[%add3A_92, %dma_start3A_117] : memref<40x128xi32, #tpu.memory_space<vmem>> -> memref<1x128xi32, #tpu.memory_space<vmem>>
          %dma_start3A_119 = tpu.memref_squeeze %dma_start3A_118 : memref<1x128xi32, #tpu.memory_space<vmem>> -> memref<128xi32, #tpu.memory_space<vmem>>
          %dma_start3A_120 = arith.constant 0 : i32
          %dma_start3A_121 = arith.constant 0 : i32
          %dma_start3A_122 = tpu.memref_slice %arg11[%dma_start3A_120, %dma_start3A_121] : memref<10112x128xf32, #tpu.memory_space<vmem_shared>> -> memref<10112x128xf32, #tpu.memory_space<vmem_shared>>
          tpu.enqueue_indirect_dma source(%dma_start3A_116 : memref<128x128xf32, #tpu.memory_space<vmem>>) target(%dma_start3A_122 : memref<10112x128xf32, #tpu.memory_space<vmem_shared>>) offsets(%dma_start3A_119 : memref<128xi32, #tpu.memory_space<vmem>>) semaphore(%run_scoped3A_112 : memref<!tpu.dma_semaphore, #tpu.memory_space<semaphore_mem>>) {add = true}
          %dma_wait3A_123 = arith.constant 0 : i32
          %dma_wait3A_124 = arith.constant 0 : i32
          %dma_wait3A_125 = tpu.memref_slice %arg10[%run_scoped3A_104, %dma_wait3A_123, %dma_wait3A_124] : memref<2x128x128xf32, #tpu.memory_space<vmem>> -> memref<1x128x128xf32, #tpu.memory_space<vmem>>
          %dma_wait3A_126 = tpu.memref_squeeze %dma_wait3A_125 : memref<1x128x128xf32, #tpu.memory_space<vmem>> -> memref<128x128xf32, #tpu.memory_space<vmem>>
          %dma_wait3A_127 = arith.constant 0 : i32
          %dma_wait3A_128 = tpu.memref_slice %arg9[%add3A_92, %dma_wait3A_127] : memref<40x128xi32, #tpu.memory_space<vmem>> -> memref<1x128xi32, #tpu.memory_space<vmem>>
          %dma_wait3A_129 = tpu.memref_squeeze %dma_wait3A_128 : memref<1x128xi32, #tpu.memory_space<vmem>> -> memref<128xi32, #tpu.memory_space<vmem>>
          %dma_wait3A_130 = arith.constant 0 : i32
          %dma_wait3A_131 = arith.constant 0 : i32
          %dma_wait3A_132 = tpu.memref_slice %arg11[%dma_wait3A_130, %dma_wait3A_131] : memref<10112x128xf32, #tpu.memory_space<vmem_shared>> -> memref<10112x128xf32, #tpu.memory_space<vmem_shared>>
          tpu.wait_indirect_dma semaphore(%run_scoped3A_112 : memref<!tpu.dma_semaphore, #tpu.memory_space<semaphore_mem>>) src(%dma_wait3A_126 : memref<128x128xf32, #tpu.memory_space<vmem>>) dst(%dma_wait3A_132 : memref<10112x128xf32, #tpu.memory_space<vmem_shared>>)
          tpu.yield
        }) : () -> ()
        %add3A_105 = arith.constant 2 : i32
        %add3A_106 = arith.addi %add3A_92, %add3A_105 : i32
        %lt3A_107 = arith.constant 40 : i32
        %lt3A_108 = arith.cmpi slt, %add3A_106, %lt3A_107 : i32
        %convert_element_type3A_109 = arith.extui %lt3A_108 : i1 to i32
        %cond3A_110 = arith.constant 0 : i32
        %cond3A_111 = arith.cmpi ne, %convert_element_type3A_109, %cond3A_110 : i32
        scf.if %cond3A_111 {
          %add3A_112 = arith.constant 2 : i32
          %add3A_113 = arith.addi %add3A_92, %add3A_112 : i32
          %dma_start3A_114 = arith.constant 1 : i32
          %dma_start3A_115 = arith.constant 0 : i32
          %dma_start3A_116 = arith.constant 0 : i32
          %dma_start3A_117 = tpu.memref_slice %arg10[%dma_start3A_114, %dma_start3A_115, %dma_start3A_116] : memref<2x128x128xf32, #tpu.memory_space<vmem>> -> memref<1x128x128xf32, #tpu.memory_space<vmem>>
          %dma_start3A_118 = tpu.memref_squeeze %dma_start3A_117 : memref<1x128x128xf32, #tpu.memory_space<vmem>> -> memref<128x128xf32, #tpu.memory_space<vmem>>
          %dma_start3A_119 = arith.constant 0 : i32
          %dma_start3A_120 = tpu.memref_slice %arg8[%add3A_113, %dma_start3A_119] : memref<40x128xi32, #tpu.memory_space<vmem>> -> memref<1x128xi32, #tpu.memory_space<vmem>>
          %dma_start3A_121 = tpu.memref_squeeze %dma_start3A_120 : memref<1x128xi32, #tpu.memory_space<vmem>> -> memref<128xi32, #tpu.memory_space<vmem>>
          %dma_start3A_122 = arith.constant 0 : i32
          %dma_start3A_123 = arith.constant 0 : i32
          %dma_start3A_124 = tpu.memref_slice %arg3[%dma_start3A_122, %dma_start3A_123] : memref<10000x128xf32, #tpu.memory_space<hbm>> -> memref<10000x128xf32, #tpu.memory_space<hbm>>
          tpu.enqueue_indirect_dma source(%dma_start3A_124 : memref<10000x128xf32, #tpu.memory_space<hbm>>) target(%dma_start3A_118 : memref<128x128xf32, #tpu.memory_space<vmem>>) offsets(%dma_start3A_121 : memref<128xi32, #tpu.memory_space<vmem>>) semaphore(%arg13 : memref<!tpu.dma_semaphore, #tpu.memory_space<semaphore_mem>>)
        } else {
        }
      }
      %scan3A_68 = arith.constant 20 : i32
      %barrier3A_69 = arith.constant 0 : index
      tpu.barrier barrier_id(%barrier3A_69)
      "tpu.region"() ({
        %run_scoped3A_70 = tpu.sem_alloc : memref<!tpu.dma_semaphore, #tpu.memory_space<semaphore_mem>>
        %dma_start3A_71 = arith.constant 0 : i32
        %dma_start3A_72 = tpu.memref_slice %arg7[%arg0, %mul3A_31, %dma_start3A_71] : memref<2x10112x128xf32, #tpu.memory_space<hbm>> -> memref<1x632x128xf32, #tpu.memory_space<hbm>>
        %dma_start3A_73 = tpu.memref_squeeze %dma_start3A_72 : memref<1x632x128xf32, #tpu.memory_space<hbm>> -> memref<632x128xf32, #tpu.memory_space<hbm>>
        %dma_start3A_74 = arith.constant 0 : i32
        %dma_start3A_75 = tpu.memref_slice %arg11[%mul3A_31, %dma_start3A_74] : memref<10112x128xf32, #tpu.memory_space<vmem_shared>> -> memref<632x128xf32, #tpu.memory_space<vmem_shared>>
        tpu.enqueue_dma source(%dma_start3A_75 : memref<632x128xf32, #tpu.memory_space<vmem_shared>>) target(%dma_start3A_73 : memref<632x128xf32, #tpu.memory_space<hbm>>) target_semaphore(%run_scoped3A_70 : memref<!tpu.dma_semaphore, #tpu.memory_space<semaphore_mem>>)
        %dma_wait3A = arith.constant 0 : i32
        %dma_wait3A_76 = tpu.memref_slice %arg7[%arg0, %mul3A_31, %dma_wait3A] : memref<2x10112x128xf32, #tpu.memory_space<hbm>> -> memref<1x632x128xf32, #tpu.memory_space<hbm>>
        %dma_wait3A_77 = tpu.memref_squeeze %dma_wait3A_76 : memref<1x632x128xf32, #tpu.memory_space<hbm>> -> memref<632x128xf32, #tpu.memory_space<hbm>>
        %dma_wait3A_78 = arith.constant 0 : i32
        %dma_wait3A_79 = tpu.memref_slice %arg11[%mul3A_31, %dma_wait3A_78] : memref<10112x128xf32, #tpu.memory_space<vmem_shared>> -> memref<632x128xf32, #tpu.memory_space<vmem_shared>>
        tpu.wait_dma2 semaphore(%run_scoped3A_70 : memref<!tpu.dma_semaphore, #tpu.memory_space<semaphore_mem>>) src(%dma_wait3A_79 : memref<632x128xf32, #tpu.memory_space<vmem_shared>>) dst(%dma_wait3A_77 : memref<632x128xf32, #tpu.memory_space<hbm>>)
        tpu.yield
      }) : () -> ()
    } else {
    }
    return
  }
}

module attributes {stable_mosaic.version = 14 : i64} {
  func.func @body(%arg0: i32, %arg1: memref<1xf32, #tpu.memory_space<smem>>, %arg2: memref<1000x256xf32, #tpu.memory_space<vmem>>, %arg3: memref<1x1000x128xf32, #tpu.memory_space<vmem>>, %arg4: memref<1x1000x128xf32, #tpu.memory_space<vmem>>, %arg5: memref<256x256xf32, #tpu.memory_space<vmem>>, %arg6: memref<1x256xf32, #tpu.memory_space<vmem>>, %arg7: memref<256x256xf32, #tpu.memory_space<vmem>>, %arg8: memref<1x256xf32, #tpu.memory_space<vmem>>, %arg9: memref<1x256xf32, #tpu.memory_space<vmem>>, %arg10: memref<1x256xf32, #tpu.memory_space<vmem>>, %arg11: memref<1x256xf32, #tpu.memory_space<vmem>>, %arg12: memref<1x256xf32, #tpu.memory_space<vmem>>, %arg13: memref<1000x256xf32, #tpu.memory_space<vmem>>) attributes {dimension_semantics = [#tpu.dimension_semantics<arbitrary>], iteration_bounds = array<i64: 10>, scalar_prefetch = 0 : i64, scratch_operands = 0 : i64, tpu.core_type = #tpu.core_type<tc>, window_params = [{transform_indices = @transform_0, window_bounds = array<i64: 1>}, {transform_indices = @transform_1, window_bounds = array<i64: 1000, 256>}, {transform_indices = @transform_2, window_bounds = array<i64: 1, 1000, 128>}, {transform_indices = @transform_3, window_bounds = array<i64: 1, 1000, 128>}, {pipeline_mode = #tpu.pipeline_mode<synchronous>, transform_indices = @transform_4, window_bounds = array<i64: 256, 256>}, {pipeline_mode = #tpu.pipeline_mode<synchronous>, transform_indices = @transform_5, window_bounds = array<i64: 1, 256>}, {pipeline_mode = #tpu.pipeline_mode<synchronous>, transform_indices = @transform_6, window_bounds = array<i64: 256, 256>}, {pipeline_mode = #tpu.pipeline_mode<synchronous>, transform_indices = @transform_7, window_bounds = array<i64: 1, 256>}, {pipeline_mode = #tpu.pipeline_mode<synchronous>, transform_indices = @transform_8, window_bounds = array<i64: 1, 256>}, {pipeline_mode = #tpu.pipeline_mode<synchronous>, transform_indices = @transform_9, window_bounds = array<i64: 1, 256>}, {pipeline_mode = #tpu.pipeline_mode<synchronous>, transform_indices = @transform_10, window_bounds = array<i64: 1, 256>}, {pipeline_mode = #tpu.pipeline_mode<synchronous>, transform_indices = @transform_11, window_bounds = array<i64: 1, 256>}, {transform_indices = @transform_12, window_bounds = array<i64: 1000, 256>}]} {
    %get3A = arith.constant 0 : index
    %get3A_0 = arith.constant 0 : index
    %get3A_1 = arith.constant 0 : index
    %get3A_2 = vector.load %arg3[%get3A, %get3A_0, %get3A_1] : memref<1x1000x128xf32, #tpu.memory_space<vmem>>, vector<1x1000x128xf32>
    %get3A_3 = vector.shape_cast %get3A_2 : vector<1x1000x128xf32> to vector<1000x128xf32>
    %get3A_4 = arith.constant 0 : index
    %get3A_5 = arith.constant 0 : index
    %get3A_6 = arith.constant 0 : index
    %get3A_7 = vector.load %arg4[%get3A_4, %get3A_5, %get3A_6] : memref<1x1000x128xf32, #tpu.memory_space<vmem>>, vector<1x1000x128xf32>
    %get3A_8 = vector.shape_cast %get3A_7 : vector<1x1000x128xf32> to vector<1000x128xf32>
    %concatenate3A = tpu.concatenate %get3A_3, %get3A_8 in 1 : vector<1000x128xf32>, vector<1000x128xf32> -> vector<1000x256xf32>
    %get3A_9 = arith.constant 0 : index
    %get3A_10 = memref.load %arg1[%get3A_9] : memref<1xf32, #tpu.memory_space<smem>>
    %add3A = arith.constant 1.000000e+00 : f32
    %add3A_11 = arith.addf %add3A, %get3A_10 : f32
    %get3A_12 = arith.constant 0 : index
    %get3A_13 = arith.constant 0 : index
    %get3A_14 = vector.load %arg2[%get3A_12, %get3A_13] : memref<1000x256xf32, #tpu.memory_space<vmem>>, vector<1000x256xf32>
    %mul3A = vector.broadcast %add3A_11 : f32 to vector<1000x256xf32>
    %mul3A_15 = arith.mulf %mul3A, %get3A_14 : vector<1000x256xf32>
    %add3A_16 = arith.addf %concatenate3A, %mul3A_15 : vector<1000x256xf32>
    %get3A_17 = arith.constant 0 : index
    %get3A_18 = arith.constant 0 : index
    %get3A_19 = vector.load %arg5[%get3A_17, %get3A_18] : memref<256x256xf32, #tpu.memory_space<vmem>>, vector<256x256xf32>
    %dot_general3A = arith.constant dense<0.000000e+00> : vector<1000x256xf32>
    %dot_general3A_20 = tpu.matmul %add3A_16, %get3A_19, %dot_general3A {dimension_numbers = #tpu.dot_dimension_numbers<[1], [0], [0], [1], [0, 0, 1, 1], [], []>, transpose_lhs_hint = false} : vector<1000x256xf32>, vector<256x256xf32>, vector<1000x256xf32> -> vector<1000x256xf32>
    %get3A_21 = arith.constant 0 : index
    %get3A_22 = arith.constant 0 : index
    %get3A_23 = vector.load %arg6[%get3A_21, %get3A_22] : memref<1x256xf32, #tpu.memory_space<vmem>>, vector<1x256xf32>
    %add3A_24 = vector.broadcast %get3A_23 : vector<1x256xf32> to vector<1000x256xf32>
    %add3A_25 = arith.addf %dot_general3A_20, %add3A_24 : vector<1000x256xf32>
    %max3A = arith.constant 0.000000e+00 : f32
    %max3A_26 = vector.broadcast %max3A : f32 to vector<1000x256xf32>
    %max3A_27 = arith.maximumf %add3A_25, %max3A_26 : vector<1000x256xf32>
    %get3A_28 = arith.constant 0 : index
    %get3A_29 = arith.constant 0 : index
    %get3A_30 = vector.load %arg7[%get3A_28, %get3A_29] : memref<256x256xf32, #tpu.memory_space<vmem>>, vector<256x256xf32>
    %dot_general3A_31 = arith.constant dense<0.000000e+00> : vector<1000x256xf32>
    %dot_general3A_32 = tpu.matmul %max3A_27, %get3A_30, %dot_general3A_31 {dimension_numbers = #tpu.dot_dimension_numbers<[1], [0], [0], [1], [0, 0, 1, 1], [], []>, transpose_lhs_hint = false} : vector<1000x256xf32>, vector<256x256xf32>, vector<1000x256xf32> -> vector<1000x256xf32>
    %get3A_33 = arith.constant 0 : index
    %get3A_34 = arith.constant 0 : index
    %get3A_35 = vector.load %arg8[%get3A_33, %get3A_34] : memref<1x256xf32, #tpu.memory_space<vmem>>, vector<1x256xf32>
    %add3A_36 = vector.broadcast %get3A_35 : vector<1x256xf32> to vector<1000x256xf32>
    %add3A_37 = arith.addf %dot_general3A_32, %add3A_36 : vector<1000x256xf32>
    %get3A_38 = arith.constant 0 : index
    %get3A_39 = arith.constant 0 : index
    %get3A_40 = vector.load %arg9[%get3A_38, %get3A_39] : memref<1x256xf32, #tpu.memory_space<vmem>>, vector<1x256xf32>
    %get3A_41 = arith.constant 0 : index
    %get3A_42 = arith.constant 0 : index
    %get3A_43 = vector.load %arg12[%get3A_41, %get3A_42] : memref<1x256xf32, #tpu.memory_space<vmem>>, vector<1x256xf32>
    %add3A_44 = arith.constant 9.99999974E-6 : f32
    %add3A_45 = vector.broadcast %add3A_44 : f32 to vector<1x256xf32>
    %add3A_46 = arith.addf %get3A_43, %add3A_45 : vector<1x256xf32>
    %rsqrt3A = math.rsqrt %add3A_46 : vector<1x256xf32>
    %mul3A_47 = arith.mulf %get3A_40, %rsqrt3A : vector<1x256xf32>
    %get3A_48 = arith.constant 0 : index
    %get3A_49 = arith.constant 0 : index
    %get3A_50 = vector.load %arg11[%get3A_48, %get3A_49] : memref<1x256xf32, #tpu.memory_space<vmem>>, vector<1x256xf32>
    %sub3A = vector.broadcast %get3A_50 : vector<1x256xf32> to vector<1000x256xf32>
    %sub3A_51 = arith.subf %add3A_37, %sub3A : vector<1000x256xf32>
    %mul3A_52 = vector.broadcast %mul3A_47 : vector<1x256xf32> to vector<1000x256xf32>
    %mul3A_53 = arith.mulf %sub3A_51, %mul3A_52 : vector<1000x256xf32>
    %get3A_54 = arith.constant 0 : index
    %get3A_55 = arith.constant 0 : index
    %get3A_56 = vector.load %arg10[%get3A_54, %get3A_55] : memref<1x256xf32, #tpu.memory_space<vmem>>, vector<1x256xf32>
    %add3A_57 = vector.broadcast %get3A_56 : vector<1x256xf32> to vector<1000x256xf32>
    %add3A_58 = arith.addf %mul3A_53, %add3A_57 : vector<1000x256xf32>
    %max3A_59 = arith.constant 0.000000e+00 : f32
    %max3A_60 = vector.broadcast %max3A_59 : f32 to vector<1000x256xf32>
    %max3A_61 = arith.maximumf %add3A_58, %max3A_60 : vector<1000x256xf32>
    %swap3A = arith.constant 0 : index
    %swap3A_62 = arith.constant 0 : index
    %swap3A_63 = vector.load %arg13[%swap3A, %swap3A_62] : memref<1000x256xf32, #tpu.memory_space<vmem>>, vector<1000x256xf32>
    tpu.vector_store %arg13[%swap3A, %swap3A_62], %max3A_61 {strides = array<i32>} : memref<1000x256xf32, #tpu.memory_space<vmem>>, vector<1000x256xf32>,
    return
  }
  func.func @transform_0(%arg0: i32) -> i32 {
    %c0_i32 = arith.constant 0 : i32
    %c0_i32_0 = arith.constant 0 : i32
    return %c0_i32 : i32
  }
  func.func @transform_1(%arg0: i32) -> (i32, i32) {
    %c0_i32 = arith.constant 0 : i32
    %c0_i32_0 = arith.constant 0 : i32
    return %arg0, %c0_i32 : i32, i32
  }
  func.func @transform_2(%arg0: i32) -> (i32, i32, i32) {
    %c0_i32 = arith.constant 0 : i32
    %c0_i32_0 = arith.constant 0 : i32
    %c0_i32_1 = arith.constant 0 : i32
    return %c0_i32, %arg0, %c0_i32_0 : i32, i32, i32
  }
  func.func @transform_3(%arg0: i32) -> (i32, i32, i32) {
    %c1_i32 = arith.constant 1 : i32
    %c0_i32 = arith.constant 0 : i32
    %c0_i32_0 = arith.constant 0 : i32
    return %c1_i32, %arg0, %c0_i32 : i32, i32, i32
  }
  func.func @transform_4(%arg0: i32) -> (i32, i32) {
    %c0_i32 = arith.constant 0 : i32
    %c0_i32_0 = arith.constant 0 : i32
    %c0_i32_1 = arith.constant 0 : i32
    return %c0_i32, %c0_i32_0 : i32, i32
  }
  func.func @transform_5(%arg0: i32) -> (i32, i32) {
    %c0_i32 = arith.constant 0 : i32
    %c0_i32_0 = arith.constant 0 : i32
    %c0_i32_1 = arith.constant 0 : i32
    return %c0_i32, %c0_i32_0 : i32, i32
  }
  func.func @transform_6(%arg0: i32) -> (i32, i32) {
    %c0_i32 = arith.constant 0 : i32
    %c0_i32_0 = arith.constant 0 : i32
    %c0_i32_1 = arith.constant 0 : i32
    return %c0_i32, %c0_i32_0 : i32, i32
  }
  func.func @transform_7(%arg0: i32) -> (i32, i32) {
    %c0_i32 = arith.constant 0 : i32
    %c0_i32_0 = arith.constant 0 : i32
    %c0_i32_1 = arith.constant 0 : i32
    return %c0_i32, %c0_i32_0 : i32, i32
  }
  func.func @transform_8(%arg0: i32) -> (i32, i32) {
    %c0_i32 = arith.constant 0 : i32
    %c0_i32_0 = arith.constant 0 : i32
    %c0_i32_1 = arith.constant 0 : i32
    return %c0_i32, %c0_i32_0 : i32, i32
  }
  func.func @transform_9(%arg0: i32) -> (i32, i32) {
    %c0_i32 = arith.constant 0 : i32
    %c0_i32_0 = arith.constant 0 : i32
    %c0_i32_1 = arith.constant 0 : i32
    return %c0_i32, %c0_i32_0 : i32, i32
  }
  func.func @transform_10(%arg0: i32) -> (i32, i32) {
    %c0_i32 = arith.constant 0 : i32
    %c0_i32_0 = arith.constant 0 : i32
    %c0_i32_1 = arith.constant 0 : i32
    return %c0_i32, %c0_i32_0 : i32, i32
  }
  func.func @transform_11(%arg0: i32) -> (i32, i32) {
    %c0_i32 = arith.constant 0 : i32
    %c0_i32_0 = arith.constant 0 : i32
    %c0_i32_1 = arith.constant 0 : i32
    return %c0_i32, %c0_i32_0 : i32, i32
  }
  func.func @transform_12(%arg0: i32) -> (i32, i32) {
    %c0_i32 = arith.constant 0 : i32
    %c0_i32_0 = arith.constant 0 : i32
    return %arg0, %c0_i32 : i32, i32
  }
}

</mosaic_0001>

<sc_bundles>
// kernel: kernel.4.cloned.1.call-start
scs
__scs_entry_jumppad:
0x0: {  	(pc) =	sbr.rel $0x88, $3  }
0x1: {  	(tag) =	ssettag $0x0;
	lr =	simm.s32 $0x1  }
0x2: {  	[smem:$0x3F96] =	sst lr;
	_ =	strace $0xD0000000  }
0x3: {  	_ = 	snop  }
0x4: {  	_ = 	snop  }
0x5: {  	_ = 	snop  }
0x6: {  	_ = 	snop  }
0x7: {  	_ = 	snop  }
__scs_overlays_trampoline_lowered:
0x8: {  	[smem:$0x3FA5] =	sst s0  }
0x9: {  	[smem:$0x3FA6] =	sst s1  }
0xa: {  	[smem:$0x3FA7] =	sst s2  }
0xb: {  	[smem:$0x3FA8] =	sst s3  }
0xc: {  	[smem:$0x3FA9] =	sst s4  }
0xd: {  	[smem:$0x3FAA] =	sst s5  }
0xe: {  	[smem:$0x3FAB] =	sst s6  }
0xf: {  	[smem:$0x3FAC] =	sst s7  }
0x10: {  	[smem:$0x3FAD] =	sst s8  }
0x11: {  	[smem:$0x3FAE] =	sst s9;
	s0 =	simm.s32 @!p0 $0x0  }
0x12: {  	s1 =	sld [smem:$0x3F94];
	s0 =	simm.s32 @p0 $0x1  }
0x13: {  	[smem:$0x3FAF] =	sst s0;
	s0 =	simm.s32 @!p1 $0x0  }
0x14: {  	s2 =	sld [smem:$0x3F93];
	s0 =	simm.s32 @p1 $0x1  }
0x15: {  	[smem:$0x3FB0] =	sst s0;
	s0 =	simm.s32 @!p2 $0x0  }
0x16: {  	s3 =	sld [smem:$0x3FDB];
	s0 =	simm.s32 @p2 $0x1  }
0x17: {  	s4 =	simm.s32 $0x1BF5;
	[smem:$0x3FB2] =	sst s0  }
0x18: {  	s0 =	sld [smem:$0x3F95];
	_ =	swait.ge [sflag:s4], $0x0  }
0x19: {  	s7 =	sld [smem:$0x3F96]  }
0x1a: {  	s8 =	sadd.s32 $0xFFFFE003, lr  }
0x1b: {  	s9 =	sadd.s32 $0xFFFFFEF7, lr;
	s5 =	simm.s32 $0xFFFFFFFF;
	p2 =	slt.u32 s8, $0xFFFFF086  }
0x1c: {  	p1 =	slt.u32 s9, $0xF7A;
	s5 =	simm.s32 @!p2 $0x0  }
0x1d: {  	s5 =	simm.s32 @p1 $0x1;
	p0 =	seq.s32 s7, s2  }
0x1e: {  	s7 =	smul.u32 @!p0 $0xF7A, s2;
	p2 =	seq.s32 @!p0 s5, $0x0  }
0x1f: {  	s9 =	smul.u32 $0xF7A, s1;
	s8 =	simm.s32 @!p0 $0x1BF5;
	p2 =	por !p2, p0  }
0x20: {  	[sflag:s8] =	ssyncset.s32 @!p0 $0xFFFFF086;
	s6 =	sadd.s32 @!p0 s3, s7;
	s7 =	simm.s32 @!p0 $0x108  }
0x21: {  	s3 =	sadd.s32 s3, s9;
	s6 =	sadd.s32 @!p0 $0x88, s6;
	s7 =	simm.s32 @p2 $0x1082  }
0x22: {  	[simem:s7], [sflag:s8] =	dma.local @!p0 [hbm:s6], $0xF7A  }
0x23: {  	s9 =	sor.u32 $0xD0000000, s2;
	s6 =	simm.s32 $0x108;
	_ =	swait.ge @!p0 [sflag:s8], $0x0  }
0x24: {  	s3 =	sadd.s32 $0x88, s3;
	s6 =	simm.s32 @!p1 $0x1082;
	[sflag:s4] =	ssyncset.s32 $0xFFFFF086  }
0x25: {  	[simem:s6], [sflag:s4] =	dma.local [hbm:s3], $0xF7A  }
0x26: {  	[smem:$0x3F96] =	sst s1;
	(tag) =	ssettag s2;
	_ =	strace s9  }
0x27: {  	s1 =	sld [smem:$0x3FA6]  }
0x28: {  	s2 =	sld [smem:$0x3FA7]  }
0x29: {  	s4 =	sld [smem:$0x3FA9]  }
0x2a: {  	p0 =	seq.s32 s5, $0x0;
	s5 =	sld [smem:$0x3FAA]  }
0x2b: {  	s6 =	sld [smem:$0x3FAB]  }
0x2c: {  	s7 =	sld [smem:$0x3FAC]  }
0x2d: {  	s3 =	simm.s32 $0x108;
	s8 =	sld [smem:$0x3FAD]  }
0x2e: {  	s3 =	simm.s32 @!p0 $0x1082;
	s9 =	sld [smem:$0x3FAE]  }
0x2f: {  	lr =	sadd.s32 s0, s3;
	s0 =	sld [smem:$0x3FA5]  }
0x30: {  	s3 =	sld [smem:$0x3FA8]  }
0x31: {  	[smem:$0x3FB1] =	sst s10  }
0x32: {  	s10 =	sld [smem:$0x3FAF];
	_ =	sdelay $0x3  }
0x33: {  	p0 =	seq.s32 s10, $0x1;
	s10 =	sld [smem:$0x3FB1];
	_ =	sdelay $0x3  }
0x34: {  	[smem:$0x3FB1] =	sst s10  }
0x35: {  	s10 =	sld [smem:$0x3FB0];
	_ =	sdelay $0x3  }
0x36: {  	p1 =	seq.s32 s10, $0x1;
	s10 =	sld [smem:$0x3FB1];
	_ =	sdelay $0x3  }
0x37: {  	[smem:$0x3FB1] =	sst s10  }
0x38: {  	s10 =	sld [smem:$0x3FB2]  }
0x39: {  	_ = 	snop;
	(pc) =	sbr.ind lr, $3  }
0x3a: {  	_ = 	snop  }
0x3b: {  	_ = 	snop  }
0x3c: {  	p2 =	seq.s32 s10, $0x1;
	s10 =	sld [smem:$0x3FB1]  }
0x3d: {  	_ =	shalt  }
0x3e: {  	_ =	shalt  }
0x3f: {  	_ =	shalt  }
0x40: {  	_ =	shalt  }
0x41: {  	_ =	shalt  }
0x42: {  	_ =	shalt  }
0x43: {  	_ =	shalt  }
0x44: {  	_ =	shalt  }
0x45: {  	_ =	shalt  }
0x46: {  	_ =	shalt  }
0x47: {  	_ =	shalt  }
0x48: {  	_ =	shalt  }
0x49: {  	_ =	shalt  }
0x4a: {  	_ =	shalt  }
0x4b: {  	_ =	shalt  }
0x4c: {  	_ =	shalt  }
0x4d: {  	_ =	shalt  }
0x4e: {  	_ =	shalt  }
0x4f: {  	_ =	shalt  }
0x50: {  	_ =	shalt  }
0x51: {  	_ =	shalt  }
0x52: {  	_ =	shalt  }
0x53: {  	_ =	shalt  }
0x54: {  	_ =	shalt  }
0x55: {  	_ =	shalt  }
0x56: {  	_ =	shalt  }
0x57: {  	_ =	shalt  }
0x58: {  	_ =	shalt  }
0x59: {  	_ =	shalt  }
0x5a: {  	_ =	shalt  }
0x5b: {  	_ =	shalt  }
0x5c: {  	_ =	shalt  }
0x5d: {  	_ =	shalt  }
0x5e: {  	_ =	shalt  }
0x5f: {  	_ =	shalt  }
0x60: {  	_ =	shalt  }
0x61: {  	_ =	shalt  }
0x62: {  	_ =	shalt  }
0x63: {  	_ =	shalt  }
0x64: {  	_ =	shalt  }
0x65: {  	_ =	shalt  }
0x66: {  	_ =	shalt  }
0x67: {  	_ =	shalt  }
0x68: {  	_ =	shalt  }
0x69: {  	_ =	shalt  }
0x6a: {  	_ =	shalt  }
0x6b: {  	_ =	shalt  }
0x6c: {  	_ =	shalt  }
0x6d: {  	_ =	shalt  }
0x6e: {  	_ =	shalt  }
0x6f: {  	_ =	shalt  }
0x70: {  	_ =	shalt  }
0x71: {  	_ =	shalt  }
0x72: {  	_ =	shalt  }
0x73: {  	_ =	shalt  }
0x74: {  	_ =	shalt  }
0x75: {  	_ =	shalt  }
0x76: {  	_ =	shalt  }
0x77: {  	_ =	shalt  }
0x78: {  	_ =	shalt  }
0x79: {  	_ =	shalt  }
0x7a: {  	_ =	shalt  }
0x7b: {  	_ =	shalt  }
0x7c: {  	_ =	shalt  }
0x7d: {  	_ =	shalt  }
0x7e: {  	_ =	shalt  }
0x7f: {  	_ =	shalt  }
0x80: {  	_ =	shalt  }
0x81: {  	_ =	shalt  }
0x82: {  	_ =	shalt  }
0x83: {  	_ =	shalt  }
0x84: {  	_ =	shalt  }
0x85: {  	_ =	shalt  }
0x86: {  	_ =	shalt  }
0x87: {  	_ =	shalt  }
.Lfunc_end0:
.L_simem_size_0:
called_computation_lowered:
.L_overlay_start_0:
0x88: {  	s2 =	sld [smem:$0x3FD9]  }
0x89: {  	s3 =	sld [smem:$0x3FFE];
	_ =	sdelay $0x1  }
0x8a: {  	s1 =	srdreg.scid  }
0x8b: {  	s0 =	sand.u32 $0x1, s1  }
0x8c: {  	s17 =	sshll.u32 s0, $0xA;
	s2 =	sadd.s32 s3, s2  }
0x8d: {  	s2 =	sadd.s32 s2, s17  }
0x8e: {  	[smem:$0x3FBD] =	sst s2  }
0x8f: {  	_ = 	snop  }
0x90: {  	s2 =	sld [smem:$0x3FD0];
	(tm) =	ssettm $0x1  }
0x91: {  	s18 =	sld [smem:$0x3FFB];
	_ =	sdelay $0x3  }
0x92: {  	_ =	strace s18  }
0x93: {  	s3 =	sld [smem:$0x3FFC];
	_ =	sdelay $0x3  }
0x94: {  	_ =	strace s3  }
0x95: {  	s3 =	sld [smem:$0x3FFD];
	_ =	sdelay $0x3  }
0x96: {  	_ =	strace s3  }
0x97: {  	_ =	strace $0x8FFFFFFF  }
0x98: {  	s19 =	sld [smem:$0x3FDB];
	_ =	sdelay $0x1  }
0x99: {  	s4 =	simm.s32 $_scs_section_size  }
0x9a: {  	s5 =	simm.s32 $_size__tile_overlayer_lowered;
	s6 =	simm.s32 $_tile_overlayer_lowered  }
0x9b: {  	s22 =	simm.s32 $0x1BFF;
	s21 =	sshll.u32 s6, $0x1;
	s3 =	sadd.s32 s4, s19  }
0x9c: {  	s7 =	simm.s32 $0x0;
	s20 =	sshll.u32 s5, $0x1;
	s5 =	sadd.s32 s21, s3  }
0x9d: {  	[timem:s7], [sflag:s22] =	dma.local [hbm:s5], s20  }
0x9e: {  	_ =	swait.ge [sflag:s22], s20  }
0x9f: {  	s4 =	ssub.s32 $0x0, s20;
	[sflag:s22] =	ssyncset.done $0x0  }
0xa0: {  	[sflag:s22] =	ssyncadd.s32 s4;
	_ =	sdelay $0x1  }
0xa1: {  	s23 =	simm.s32 $0x1B8B  }
0xa2: {  	_ =	swait.ge [sflag:s23], $0x1  }
0xa3: {  	[sflag:s23] =	ssyncset.done $0x0  }
0xa4: {  	s25 =	simm.s32 $0x1B8E;
	s24 =	sld [smem:$0x3FFE];
	[sflag:s23] =	ssyncadd.s32 $0xFFFFFFFF  }
0xa5: {  	s26 =	simm.s32 $execute0_lowered;
	[smem:$0x3FD2] =	sst s25  }
0xa6: {  	s5 =	sshll.u32 s26, $0x1;
	_ =	strace $0x80000046;
	[dreg:$0x1] =	wrdreg $0xFFFFFFFF  }
0xa7: {  	s28 =	simm.s32 $_size_execute0_lowered;
	s3 =	sadd.s32 s3, s5;
	[dreg:$0x0] =	wrdreg $0x0  }
0xa8: {  	s5 =	sshll.u32 s28, $0x1;
	[dreg:$0x2] =	wrdreg s3  }
0xa9: {  	[dreg:$0x3] =	wrdreg s5  }
0xaa: {  	[dreg:$0x4] =	wrdreg $0xC0  }
0xab: {  	_ =	task [dreg:s7], $0x5FFFF  }
0xac: {  	[dreg:$0x1] =	wrdreg $0xFFFFFFFF  }
0xad: {  	[dreg:$0x0] =	wrdreg $0x60  }
0xae: {  	[dreg:$0x2] =	wrdreg s24  }
0xaf: {  	[dreg:$0x3] =	wrdreg s2  }
0xb0: {  	[dreg:$0x4] =	wrdreg $0xA8000  }
0xb1: {  	[dreg:$0x5] =	wrdreg $0x9  }
0xb2: {  	_ =	task.clear_ibuf [dreg:s7], $0x6FFFF;
	_ =	strace $0x90000046  }
0xb3: {  	s29 =	simm.s32 $0x9;
	_ =	strace $0x80000048  }
0xb4: {  	_ =	swait.ge [sflag:s29], $0x1  }
0xb5: {  	[sflag:s29] =	ssyncadd.s32 $0xFFFFFFFF  }
0xb6: {  	_ =	strace $0x90000048  }
0xb7: {  	_ =	sfence  }
0xb8: {  	s30 =	sld [smem:$0x0];
	_ =	sdelay $0x2  }
0xb9: {  	s31 =	sshll.u32 s1, $0xD;
	s1 =	sshrl.u32 s1, $0x2  }
0xba: {  	s3 =	sand.u32 $0x4000, s31;
	s1 =	sadd.s32 s1, s30  }
0xbb: {  	s0 =	sor.u32 s3, s0;
	s1 =	sshll.u32 s1, $0x11  }
0xbc: {  	s0 =	sor.u32 s1, s0  }
0xbd: {  	s0 =	sadd.s32 $0x8F2B, s0  }
0xbe: {  	[sflag:s0] =	ssyncadd.remote.s32 $0x1  }
0xbf: {  	_ =	sfence.sel $0xFFFF  }
0xc0: {  	[dreg:$0x0] =	wrdreg $0xFFFFFFFF;
	(pc) =	sbr.abs _section_cstart, $3  }
0xc1: {  	[dreg:$0x1] =	wrdreg $0xFFFFFFFF  }
0xc2: {  	_ =	task.clear_ibuf [dreg:s7], $0x2FFFF;
	_ =	strace $0x9FFFFFFF  }
0xc3: {  	(tm) =	ssettm $0x7FFFFFFF  }
tec
execute0_lowered:
.L_overlay_start_1:
0x0: {  	(tag) =	ssettag $0x1  }
0x1: {  	s7 =	rddreg [dreg:$0x0]  }
0x2: {  	s1 =	rddreg [dreg:$0x1]  }
0x3: {  	s2 =	rddreg [dreg:$0x2];
	s3 =	simm.s32 $0x0  }
0x4: {  	s4 =	srdreg.scid;
	s15 =	simm.s32 $0x3;
	s16 =	simm.s32 $0x1400  }
0x5: {  	s17 =	simm.s32 $0x80;
	s19 =	simm.s32 $0x2800;
	s20 =	simm.s32 $0x6800  }
0x6: {  	s23 =	simm.s32 $0x1;
	s24 =	simm.s32 $0x2;
	s25 =	simm.s32 $0x2700  }
0x7: {  	s26 =	simm.s32 $0x2780;
	s28 =	simm.s32 $0x0;
	[smem:$0x7FF] =	sst s3  }
0x8: {  	s5 =	sadd.s32 $0x1E00, s7;
	s8 =	sand.u32 $0x1, s4;
	s6 =	sadd.s32 $0x33000, s7  }
0x9: {  	s4 =	stileid.u32;
	s11 =	sadd.s32 $0x2E000, s7;
	s13 =	sadd.s32 $0x29000, s7  }
0xa: {  	s7 =	sadd.s32 $0x35800, s7;
	_ =	strace $0x80000047;
	s12 =	smul.u32 $0x2800, s4  }
0xb: {  	s9 =	ssub.s32 $0x2, s8;
	p0 =	seq.s32 s8, $0x1;
	s8 =	smul.u32 $0x13C00, s4  }
.Ltmp0:
0xc: {  	s18 =	sshll.u32 s4, $0x6;
	s10 =	sshrl.u32 s9, $0x1;
	(pc) =	sbr.rel .LBB2_1-.Ltmp0, $4  }
0xd: {  	s21 =	sor.u32 $0x1C03, s18;
	s14 =	ssub.s32 s9, s10;
	s12 =	sshrl.u32 s12, $0x3  }
0xe: {  	s22 =	sadd.s32 s8, s2;
	s9 =	sadd.s32 s11, s12;
	s10 =	sadd.s32 s13, s12  }
0xf: {  	s12 =	sadd.s32 $0x280, s12;
	s14 =	smax.u32 s14, $0x1;
	s22 =	sshrl.u32 s22, $0x3  }
0x10: {  	s11 =	sadd.s32 s11, s12;
	s12 =	sadd.s32 s13, s12;
	s13 =	sadd.s32 $0x13C000, s8  }
.LBB2_11:
0x11: {  	[tilespmem:s20], [sflag:$0x2] =	stream.indirect.gather [hbm4b:s1+s17], $0x80, s30, s17, $0xb8;
	[tilespmem:$0x1E400] =	vst v63  }
0x12: {  	s30 =	smov.u32 s13;
	s29 =	smov.u32 s21  }
.LBB2_12:
0x13: {  	_ =	swait.ge [sflag:s23], $0x4000  }
0x14: {  	[sflag:s23] =	ssyncset.done $0x0  }
0x15: {  	[sflag:s23] =	ssyncadd.s32 $0xFFFFC000  }
0x16: {  	[spmem:s2] =	stream.indirect.scatter.add.f32 [tilespmem:s19], [sflag:$0x3], $0x80, s25, s17, $0xb8;
	[tilespmem:$0x1E400] =	vst v63  }
0x17: {  	_ =	swait.ge [sflag:s15], $0x4000  }
0x18: {  	[sflag:s15] =	ssyncset.done $0x0  }
0x19: {  	[sflag:s15] =	ssyncadd.s32 $0xFFFFC000  }
0x1a: {  	_ =	swait.ge [sflag:s24], $0x4000  }
0x1b: {  	[sflag:s24] =	ssyncset.done $0x0  }
0x1c: {  	[sflag:s24] =	ssyncadd.s32 $0xFFFFC000  }
0x1d: {  	[spmem:s2] =	stream.indirect.scatter.add.f32 [tilespmem:s20], [sflag:$0x3], $0x80, s26, s17, $0xb8;
	[tilespmem:$0x1E400] =	vst v63  }
0x1e: {  	_ =	swait.ge [sflag:s15], $0x4000  }
0x1f: {  	s28 =	sadd.s32 $0x1, s28;
	[sflag:s15] =	ssyncset.done $0x0  }
0x20: {  	s0 =	sshrl.u32 s30, $0x3;
	p1 =	sne.s32 s28, s14;
	[sflag:s15] =	ssyncadd.s32 $0xFFFFC000  }
.Ltmp1:
0x21: {  	s0 =	sadd.s32 s7, s0;
	[bflag:$0x0] =	sbarrier.arrive $0xFFFF;
	(pc) =	sbr.rel @!p1 .LBB2_13-.Ltmp1, $4  }
0x22: {  	[hbm:s0], [sflag:s29] =	dma.local [spmem:s22], $0x2780  }
0x23: {  	_ =	swait.ge [sflag:s15], $0x2780  }
0x24: {  	[sflag:s15] =	ssyncset.done $0x0  }
0x25: {  	[sflag:s15] =	ssyncadd.s32 $0xFFFFD880  }
.LBB2_1:
0x26: {  	[tilespmem:s3], [sflag:$0x3] =	stream.linear.gather [hbm4b:s9+s3], $0x1400, $0x38;
	[tilespmem:$0x1E400] =	vst v63  }
0x27: {  	_ =	swait.ge [sflag:s15], $0x1400  }
0x28: {  	[sflag:s15] =	ssyncset.done $0x0  }
.Ltmp2:
0x29: {  	[sflag:s15] =	ssyncadd.s32 $0xFFFFEC00;
	(pc) =	sbr.rel @!p0 .LBB2_2-.Ltmp2, $4  }
0x2a: {  	[tilespmem:s16], [sflag:$0x3] =	stream.linear.gather [hbm4b:s10+s3], $0x1400, $0x38;
	[tilespmem:$0x1E400] =	vst v63  }
0x2b: {  	_ =	swait.ge [sflag:s15], $0x1400  }
0x2c: {  	[sflag:s15] =	ssyncset.done $0x0  }
0x2d: {  	[sflag:s15] =	ssyncadd.s32 $0xFFFFEC00  }
0x2e: {  	s0 =	simm.s32 $0x0  }
0x2f: {  	[tilespmem:s19], [sflag:$0x1] =	stream.indirect.gather [hbm4b:s1+s17], $0x80, s0, s17, $0xb8;
	[tilespmem:$0x1E400] =	vst v63  }
0x30: {  	_ = 	snop  }
0x31: {  	[tilespmem:s20], [sflag:$0x2] =	stream.indirect.gather [hbm4b:s1+s17], $0x80, s17, s17, $0xb8;
	[tilespmem:$0x1E400] =	vst v63  }
0x32: {  	[spmem:s22], [sflag:s21] =	dma.local [hbm:s6], $0x2780  }
0x33: {  	_ =	swait.ge [sflag:s15], $0x2780  }
0x34: {  	[sflag:s15] =	ssyncset.done $0x0  }
0x35: {  	[sflag:s15] =	ssyncadd.s32 $0xFFFFD880  }
0x36: {  	[bflag:$0x0] =	sbarrier.arrive $0xFFFF  }
0x37: {  	_ =	swait.ge [sflag:s23], $0x4000  }
0x38: {  	[sflag:s23] =	ssyncset.done $0x0  }
0x39: {  	s31 =	simm.s32 $0x1400;
	[sflag:s23] =	ssyncadd.s32 $0xFFFFC000  }
0x3a: {  	[spmem:s2] =	stream.indirect.scatter.add.f32 [tilespmem:s19], [sflag:$0x3], $0x80, s31, s17, $0xb8;
	[tilespmem:$0x1E400] =	vst v63  }
0x3b: {  	_ =	swait.ge [sflag:s15], $0x4000  }
0x3c: {  	[sflag:s15] =	ssyncset.done $0x0  }
0x3d: {  	s31 =	simm.s32 $0x100;
	[sflag:s15] =	ssyncadd.s32 $0xFFFFC000  }
0x3e: {  	[tilespmem:s19], [sflag:$0x1] =	stream.indirect.gather [hbm4b:s1+s17], $0x80, s31, s17, $0xb8;
	[tilespmem:$0x1E400] =	vst v63  }
0x3f: {  	_ =	swait.ge [sflag:s24], $0x4000  }
0x40: {  	[sflag:s24] =	ssyncset.done $0x0  }
0x41: {  	s31 =	simm.s32 $0x1480;
	[sflag:s24] =	ssyncadd.s32 $0xFFFFC000  }
0x42: {  	[spmem:s2] =	stream.indirect.scatter.add.f32 [tilespmem:s20], [sflag:$0x3], $0x80, s31, s17, $0xb8;
	[tilespmem:$0x1E400] =	vst v63  }
0x43: {  	_ =	swait.ge [sflag:s15], $0x4000  }
0x44: {  	[sflag:s15] =	ssyncset.done $0x0  }
0x45: {  	s29 =	simm.s32 $0x400;
	s30 =	simm.s32 $0x180;
	[sflag:s15] =	ssyncadd.s32 $0xFFFFC000  }
.LBB2_8:
0x46: {  	[tilespmem:s20], [sflag:$0x2] =	stream.indirect.gather [hbm4b:s1+s17], $0x80, s30, s17, $0xb8;
	[tilespmem:$0x1E400] =	vst v63  }
0x47: {  	s0 =	smov.u32 s29  }
0x48: {  	p1 =	sne.s32 s29, $0x4800;
	s29 =	sadd.s32 $0x400, s29;
	_ =	swait.ge [sflag:s23], $0x4000  }
0x49: {  	s0 =	sshra.s32 s0, $0x2;
	[sflag:s23] =	ssyncset.done $0x0  }
0x4a: {  	s30 =	sadd.s32 $0x1400, s0;
	[sflag:s23] =	ssyncadd.s32 $0xFFFFC000  }
0x4b: {  	[spmem:s2] =	stream.indirect.scatter.add.f32 [tilespmem:s19], [sflag:$0x3], $0x80, s30, s17, $0xb8;
	[tilespmem:$0x1E400] =	vst v63  }
0x4c: {  	_ =	swait.ge [sflag:s15], $0x4000  }
0x4d: {  	[sflag:s15] =	ssyncset.done $0x0  }
0x4e: {  	s30 =	sadd.s32 $0x100, s0;
	[sflag:s15] =	ssyncadd.s32 $0xFFFFC000  }
0x4f: {  	[tilespmem:s19], [sflag:$0x1] =	stream.indirect.gather [hbm4b:s1+s17], $0x80, s30, s17, $0xb8;
	[tilespmem:$0x1E400] =	vst v63  }
0x50: {  	_ =	swait.ge [sflag:s24], $0x4000  }
0x51: {  	[sflag:s24] =	ssyncset.done $0x0  }
.Ltmp3:
0x52: {  	s30 =	sadd.s32 $0x1480, s0;
	[sflag:s24] =	ssyncadd.s32 $0xFFFFC000;
	(pc) =	sbr.rel @p1 .LBB2_8-.Ltmp3, $4  }
0x53: {  	[spmem:s2] =	stream.indirect.scatter.add.f32 [tilespmem:s20], [sflag:$0x3], $0x80, s30, s17, $0xb8;
	[tilespmem:$0x1E400] =	vst v63  }
0x54: {  	_ =	swait.ge [sflag:s15], $0x4000  }
0x55: {  	[sflag:s15] =	ssyncset.done $0x0  }
0x56: {  	s30 =	sadd.s32 $0x180, s0;
	[sflag:s15] =	ssyncadd.s32 $0xFFFFC000  }
0x57: {  	[tilespmem:s20], [sflag:$0x2] =	stream.indirect.gather [hbm4b:s1+s17], $0x80, s30, s17, $0xb8;
	[tilespmem:$0x1E400] =	vst v63  }
0x58: {  	_ =	swait.ge [sflag:s23], $0x4000  }
0x59: {  	[sflag:s23] =	ssyncset.done $0x0  }
0x5a: {  	[sflag:s23] =	ssyncadd.s32 $0xFFFFC000  }
0x5b: {  	[spmem:s2] =	stream.indirect.scatter.add.f32 [tilespmem:s19], [sflag:$0x3], $0x80, s25, s17, $0xb8;
	[tilespmem:$0x1E400] =	vst v63  }
0x5c: {  	_ =	swait.ge [sflag:s15], $0x4000  }
0x5d: {  	[sflag:s15] =	ssyncset.done $0x0  }
0x5e: {  	[sflag:s15] =	ssyncadd.s32 $0xFFFFC000  }
0x5f: {  	_ =	swait.ge [sflag:s24], $0x4000  }
0x60: {  	[sflag:s24] =	ssyncset.done $0x0  }
0x61: {  	[sflag:s24] =	ssyncadd.s32 $0xFFFFC000  }
0x62: {  	[spmem:s2] =	stream.indirect.scatter.add.f32 [tilespmem:s20], [sflag:$0x3], $0x80, s26, s17, $0xb8;
	[tilespmem:$0x1E400] =	vst v63  }
0x63: {  	_ =	swait.ge [sflag:s15], $0x4000  }
0x64: {  	[sflag:s15] =	ssyncset.done $0x0  }
0x65: {  	s0 =	simm.s32 $0x0;
	[sflag:s15] =	ssyncadd.s32 $0xFFFFC000  }
0x66: {  	[tilespmem:s0], [sflag:$0x3] =	stream.linear.gather [hbm4b:s11+s0], $0x1400, $0x38;
	[tilespmem:$0x1E400] =	vst v63  }
0x67: {  	_ =	swait.ge [sflag:s15], $0x1400  }
0x68: {  	[sflag:s15] =	ssyncset.done $0x0  }
0x69: {  	[sflag:s15] =	ssyncadd.s32 $0xFFFFEC00  }
0x6a: {  	[tilespmem:s16], [sflag:$0x3] =	stream.linear.gather [hbm4b:s12+s0], $0x1400, $0x38;
	[tilespmem:$0x1E400] =	vst v63  }
0x6b: {  	_ =	swait.ge [sflag:s15], $0x1400  }
0x6c: {  	[sflag:s15] =	ssyncset.done $0x0  }
0x6d: {  	[sflag:s15] =	ssyncadd.s32 $0xFFFFEC00  }
0x6e: {  	[tilespmem:s19], [sflag:$0x1] =	stream.indirect.gather [hbm4b:s1+s17], $0x80, s0, s17, $0xb8;
	[tilespmem:$0x1E400] =	vst v63  }
0x6f: {  	_ = 	snop  }
0x70: {  	[tilespmem:s20], [sflag:$0x2] =	stream.indirect.gather [hbm4b:s1+s17], $0x80, s17, s17, $0xb8;
	[tilespmem:$0x1E400] =	vst v63  }
0x71: {  	_ =	swait.ge [sflag:s23], $0x4000  }
0x72: {  	[sflag:s23] =	ssyncset.done $0x0  }
0x73: {  	s31 =	simm.s32 $0x1400;
	[sflag:s23] =	ssyncadd.s32 $0xFFFFC000  }
0x74: {  	[spmem:s2] =	stream.indirect.scatter.add.f32 [tilespmem:s19], [sflag:$0x3], $0x80, s31, s17, $0xb8;
	[tilespmem:$0x1E400] =	vst v63  }
0x75: {  	_ =	swait.ge [sflag:s15], $0x4000  }
0x76: {  	[sflag:s15] =	ssyncset.done $0x0  }
0x77: {  	s31 =	simm.s32 $0x100;
	[sflag:s15] =	ssyncadd.s32 $0xFFFFC000  }
0x78: {  	[tilespmem:s19], [sflag:$0x1] =	stream.indirect.gather [hbm4b:s1+s17], $0x80, s31, s17, $0xb8;
	[tilespmem:$0x1E400] =	vst v63  }
0x79: {  	_ =	swait.ge [sflag:s24], $0x4000  }
0x7a: {  	[sflag:s24] =	ssyncset.done $0x0  }
0x7b: {  	s31 =	simm.s32 $0x1480;
	[sflag:s24] =	ssyncadd.s32 $0xFFFFC000  }
0x7c: {  	[spmem:s2] =	stream.indirect.scatter.add.f32 [tilespmem:s20], [sflag:$0x3], $0x80, s31, s17, $0xb8;
	[tilespmem:$0x1E400] =	vst v63  }
0x7d: {  	_ =	swait.ge [sflag:s15], $0x4000  }
0x7e: {  	[sflag:s15] =	ssyncset.done $0x0  }
0x7f: {  	s29 =	simm.s32 $0x400;
	s30 =	simm.s32 $0x180;
	[sflag:s15] =	ssyncadd.s32 $0xFFFFC000  }
.LBB2_10:
0x80: {  	[tilespmem:s20], [sflag:$0x2] =	stream.indirect.gather [hbm4b:s1+s17], $0x80, s30, s17, $0xb8;
	[tilespmem:$0x1E400] =	vst v63  }
0x81: {  	s0 =	smov.u32 s29  }
0x82: {  	p1 =	sne.s32 s29, $0x4800;
	s29 =	sadd.s32 $0x400, s29;
	_ =	swait.ge [sflag:s23], $0x4000  }
0x83: {  	s0 =	sshra.s32 s0, $0x2;
	[sflag:s23] =	ssyncset.done $0x0  }
0x84: {  	s30 =	sadd.s32 $0x1400, s0;
	[sflag:s23] =	ssyncadd.s32 $0xFFFFC000  }
0x85: {  	[spmem:s2] =	stream.indirect.scatter.add.f32 [tilespmem:s19], [sflag:$0x3], $0x80, s30, s17, $0xb8;
	[tilespmem:$0x1E400] =	vst v63  }
0x86: {  	_ =	swait.ge [sflag:s15], $0x4000  }
0x87: {  	[sflag:s15] =	ssyncset.done $0x0  }
0x88: {  	s30 =	sadd.s32 $0x100, s0;
	[sflag:s15] =	ssyncadd.s32 $0xFFFFC000  }
0x89: {  	[tilespmem:s19], [sflag:$0x1] =	stream.indirect.gather [hbm4b:s1+s17], $0x80, s30, s17, $0xb8;
	[tilespmem:$0x1E400] =	vst v63  }
0x8a: {  	_ =	swait.ge [sflag:s24], $0x4000  }
0x8b: {  	[sflag:s24] =	ssyncset.done $0x0  }
.Ltmp4:
0x8c: {  	s30 =	sadd.s32 $0x1480, s0;
	[sflag:s24] =	ssyncadd.s32 $0xFFFFC000;
	(pc) =	sbr.rel @p1 .LBB2_10-.Ltmp4, $4  }
0x8d: {  	[spmem:s2] =	stream.indirect.scatter.add.f32 [tilespmem:s20], [sflag:$0x3], $0x80, s30, s17, $0xb8;
	[tilespmem:$0x1E400] =	vst v63  }
0x8e: {  	_ =	swait.ge [sflag:s15], $0x4000  }
0x8f: {  	[sflag:s15] =	ssyncset.done $0x0  }
0x90: {  	s30 =	sadd.s32 $0x180, s0;
	[sflag:s15] =	ssyncadd.s32 $0xFFFFC000  }
.Ltmp5:
0x91: {  	_ = 	snop;
	(pc) =	sbr.rel .LBB2_11-.Ltmp5, $1  }
0x92: {  	_ =	sdelay $0x3  }
.LBB2_2:
0x93: {  	s29 =	simm.s32 $0x0  }
0x94: {  	[tilespmem:s19], [sflag:$0x1] =	stream.indirect.gather [hbm4b:s5+s17], $0x80, s29, s17, $0xb8;
	[tilespmem:$0x1E400] =	vst v63  }
0x95: {  	s29 =	sor.u32 $0x1C03, s18  }
0x96: {  	[tilespmem:s20], [sflag:$0x2] =	stream.indirect.gather [hbm4b:s5+s17], $0x80, s17, s17, $0xb8;
	[tilespmem:$0x1E400] =	vst v63  }
0x97: {  	[spmem:s22], [sflag:s29] =	dma.local [hbm:s6], $0x2780  }
0x98: {  	_ =	swait.ge [sflag:s15], $0x2780  }
0x99: {  	[sflag:s15] =	ssyncset.done $0x0  }
0x9a: {  	[sflag:s15] =	ssyncadd.s32 $0xFFFFD880  }
0x9b: {  	[bflag:$0x0] =	sbarrier.arrive $0xFFFF  }
0x9c: {  	_ =	swait.ge [sflag:s23], $0x4000  }
0x9d: {  	[sflag:s23] =	ssyncset.done $0x0  }
0x9e: {  	s30 =	simm.s32 $0x1400;
	[sflag:s23] =	ssyncadd.s32 $0xFFFFC000  }
0x9f: {  	[spmem:s2] =	stream.indirect.scatter.add.f32 [tilespmem:s19], [sflag:$0x3], $0x80, s30, s17, $0xb8;
	[tilespmem:$0x1E400] =	vst v63  }
0xa0: {  	_ =	swait.ge [sflag:s15], $0x4000  }
0xa1: {  	[sflag:s15] =	ssyncset.done $0x0  }
0xa2: {  	s30 =	simm.s32 $0x100;
	[sflag:s15] =	ssyncadd.s32 $0xFFFFC000  }
0xa3: {  	[tilespmem:s19], [sflag:$0x1] =	stream.indirect.gather [hbm4b:s5+s17], $0x80, s30, s17, $0xb8;
	[tilespmem:$0x1E400] =	vst v63  }
0xa4: {  	_ =	swait.ge [sflag:s24], $0x4000  }
0xa5: {  	[sflag:s24] =	ssyncset.done $0x0  }
0xa6: {  	s30 =	simm.s32 $0x1480;
	[sflag:s24] =	ssyncadd.s32 $0xFFFFC000  }
0xa7: {  	[spmem:s2] =	stream.indirect.scatter.add.f32 [tilespmem:s20], [sflag:$0x3], $0x80, s30, s17, $0xb8;
	[tilespmem:$0x1E400] =	vst v63  }
0xa8: {  	_ =	swait.ge [sflag:s15], $0x4000  }
0xa9: {  	[sflag:s15] =	ssyncset.done $0x0  }
0xaa: {  	s31 =	simm.s32 $0x180;
	s30 =	simm.s32 $0x400;
	[sflag:s15] =	ssyncadd.s32 $0xFFFFC000  }
.LBB2_3:
0xab: {  	[tilespmem:s20], [sflag:$0x2] =	stream.indirect.gather [hbm4b:s5+s17], $0x80, s31, s17, $0xb8;
	[tilespmem:$0x1E400] =	vst v63  }
0xac: {  	s31 =	smov.u32 s30  }
0xad: {  	p1 =	sne.s32 s30, $0x4800;
	s30 =	sadd.s32 $0x400, s30;
	_ =	swait.ge [sflag:s23], $0x4000  }
0xae: {  	s31 =	sshra.s32 s31, $0x2;
	[sflag:s23] =	ssyncset.done $0x0  }
0xaf: {  	s0 =	sadd.s32 $0x1400, s31;
	[sflag:s23] =	ssyncadd.s32 $0xFFFFC000  }
0xb0: {  	[spmem:s2] =	stream.indirect.scatter.add.f32 [tilespmem:s19], [sflag:$0x3], $0x80, s0, s17, $0xb8;
	[tilespmem:$0x1E400] =	vst v63  }
0xb1: {  	_ =	swait.ge [sflag:s15], $0x4000  }
0xb2: {  	[sflag:s15] =	ssyncset.done $0x0  }
0xb3: {  	s0 =	sadd.s32 $0x100, s31;
	[sflag:s15] =	ssyncadd.s32 $0xFFFFC000  }
0xb4: {  	[tilespmem:s19], [sflag:$0x1] =	stream.indirect.gather [hbm4b:s5+s17], $0x80, s0, s17, $0xb8;
	[tilespmem:$0x1E400] =	vst v63  }
0xb5: {  	_ =	swait.ge [sflag:s24], $0x4000  }
0xb6: {  	[sflag:s24] =	ssyncset.done $0x0  }
.Ltmp6:
0xb7: {  	s0 =	sadd.s32 $0x1480, s31;
	[sflag:s24] =	ssyncadd.s32 $0xFFFFC000;
	(pc) =	sbr.rel @p1 .LBB2_3-.Ltmp6, $4  }
0xb8: {  	[spmem:s2] =	stream.indirect.scatter.add.f32 [tilespmem:s20], [sflag:$0x3], $0x80, s0, s17, $0xb8;
	[tilespmem:$0x1E400] =	vst v63  }
0xb9: {  	_ =	swait.ge [sflag:s15], $0x4000  }
0xba: {  	[sflag:s15] =	ssyncset.done $0x0  }
0xbb: {  	s31 =	sadd.s32 $0x180, s31;
	[sflag:s15] =	ssyncadd.s32 $0xFFFFC000  }
0xbc: {  	[tilespmem:s20], [sflag:$0x2] =	stream.indirect.gather [hbm4b:s5+s17], $0x80, s31, s17, $0xb8;
	[tilespmem:$0x1E400] =	vst v63  }
0xbd: {  	_ =	swait.ge [sflag:s23], $0x4000  }
0xbe: {  	[sflag:s23] =	ssyncset.done $0x0  }
0xbf: {  	[sflag:s23] =	ssyncadd.s32 $0xFFFFC000  }
0xc0: {  	[spmem:s2] =	stream.indirect.scatter.add.f32 [tilespmem:s19], [sflag:$0x3], $0x80, s25, s17, $0xb8;
	[tilespmem:$0x1E400] =	vst v63  }
0xc1: {  	_ =	swait.ge [sflag:s15], $0x4000  }
0xc2: {  	[sflag:s15] =	ssyncset.done $0x0  }
0xc3: {  	[sflag:s15] =	ssyncadd.s32 $0xFFFFC000  }
0xc4: {  	_ =	swait.ge [sflag:s24], $0x4000  }
0xc5: {  	[sflag:s24] =	ssyncset.done $0x0  }
0xc6: {  	[sflag:s24] =	ssyncadd.s32 $0xFFFFC000  }
0xc7: {  	[spmem:s2] =	stream.indirect.scatter.add.f32 [tilespmem:s20], [sflag:$0x3], $0x80, s26, s17, $0xb8;
	[tilespmem:$0x1E400] =	vst v63  }
0xc8: {  	_ =	swait.ge [sflag:s15], $0x4000  }
0xc9: {  	[sflag:s15] =	ssyncset.done $0x0  }
0xca: {  	s0 =	simm.s32 $0x0;
	[sflag:s15] =	ssyncadd.s32 $0xFFFFC000  }
0xcb: {  	[tilespmem:s0], [sflag:$0x3] =	stream.linear.gather [hbm4b:s11+s0], $0x1400, $0x38;
	[tilespmem:$0x1E400] =	vst v63  }
0xcc: {  	_ =	swait.ge [sflag:s15], $0x1400  }
0xcd: {  	[sflag:s15] =	ssyncset.done $0x0  }
0xce: {  	[sflag:s15] =	ssyncadd.s32 $0xFFFFEC00  }
0xcf: {  	[tilespmem:s16], [sflag:$0x3] =	stream.linear.gather [hbm4b:s12+s0], $0x1400, $0x38;
	[tilespmem:$0x1E400] =	vst v63  }
0xd0: {  	_ =	swait.ge [sflag:s15], $0x1400  }
0xd1: {  	[sflag:s15] =	ssyncset.done $0x0  }
0xd2: {  	[sflag:s15] =	ssyncadd.s32 $0xFFFFEC00  }
0xd3: {  	[tilespmem:s19], [sflag:$0x1] =	stream.indirect.gather [hbm4b:s5+s17], $0x80, s0, s17, $0xb8;
	[tilespmem:$0x1E400] =	vst v63  }
0xd4: {  	_ = 	snop  }
0xd5: {  	[tilespmem:s20], [sflag:$0x2] =	stream.indirect.gather [hbm4b:s5+s17], $0x80, s17, s17, $0xb8;
	[tilespmem:$0x1E400] =	vst v63  }
0xd6: {  	_ =	swait.ge [sflag:s23], $0x4000  }
0xd7: {  	[sflag:s23] =	ssyncset.done $0x0  }
0xd8: {  	s0 =	simm.s32 $0x1400;
	[sflag:s23] =	ssyncadd.s32 $0xFFFFC000  }
0xd9: {  	[spmem:s2] =	stream.indirect.scatter.add.f32 [tilespmem:s19], [sflag:$0x3], $0x80, s0, s17, $0xb8;
	[tilespmem:$0x1E400] =	vst v63  }
0xda: {  	_ =	swait.ge [sflag:s15], $0x4000  }
0xdb: {  	[sflag:s15] =	ssyncset.done $0x0  }
0xdc: {  	s0 =	simm.s32 $0x100;
	[sflag:s15] =	ssyncadd.s32 $0xFFFFC000  }
0xdd: {  	[tilespmem:s19], [sflag:$0x1] =	stream.indirect.gather [hbm4b:s5+s17], $0x80, s0, s17, $0xb8;
	[tilespmem:$0x1E400] =	vst v63  }
0xde: {  	_ =	swait.ge [sflag:s24], $0x4000  }
0xdf: {  	[sflag:s24] =	ssyncset.done $0x0  }
0xe0: {  	s0 =	simm.s32 $0x1480;
	[sflag:s24] =	ssyncadd.s32 $0xFFFFC000  }
0xe1: {  	[spmem:s2] =	stream.indirect.scatter.add.f32 [tilespmem:s20], [sflag:$0x3], $0x80, s0, s17, $0xb8;
	[tilespmem:$0x1E400] =	vst v63  }
0xe2: {  	_ =	swait.ge [sflag:s15], $0x4000  }
0xe3: {  	[sflag:s15] =	ssyncset.done $0x0  }
0xe4: {  	s30 =	simm.s32 $0x400;
	s31 =	simm.s32 $0x180;
	[sflag:s15] =	ssyncadd.s32 $0xFFFFC000  }
.LBB2_5:
0xe5: {  	[tilespmem:s20], [sflag:$0x2] =	stream.indirect.gather [hbm4b:s5+s17], $0x80, s31, s17, $0xb8;
	[tilespmem:$0x1E400] =	vst v63  }
0xe6: {  	s0 =	smov.u32 s30  }
0xe7: {  	p1 =	seq.s32 s30, $0x4800;
	s30 =	sadd.s32 $0x400, s30;
	_ =	swait.ge [sflag:s23], $0x4000  }
0xe8: {  	s0 =	sshra.s32 s0, $0x2;
	[sflag:s23] =	ssyncset.done $0x0  }
0xe9: {  	s31 =	sadd.s32 $0x1400, s0;
	[sflag:s23] =	ssyncadd.s32 $0xFFFFC000  }
0xea: {  	[spmem:s2] =	stream.indirect.scatter.add.f32 [tilespmem:s19], [sflag:$0x3], $0x80, s31, s17, $0xb8;
	[tilespmem:$0x1E400] =	vst v63  }
0xeb: {  	_ =	swait.ge [sflag:s15], $0x4000  }
0xec: {  	[sflag:s15] =	ssyncset.done $0x0  }
0xed: {  	s31 =	sadd.s32 $0x100, s0;
	[sflag:s15] =	ssyncadd.s32 $0xFFFFC000  }
0xee: {  	[tilespmem:s19], [sflag:$0x1] =	stream.indirect.gather [hbm4b:s5+s17], $0x80, s31, s17, $0xb8;
	[tilespmem:$0x1E400] =	vst v63  }
0xef: {  	_ =	swait.ge [sflag:s24], $0x4000  }
0xf0: {  	[sflag:s24] =	ssyncset.done $0x0  }
.Ltmp7:
0xf1: {  	s31 =	sadd.s32 $0x1480, s0;
	[sflag:s24] =	ssyncadd.s32 $0xFFFFC000;
	(pc) =	sbr.rel @!p1 .LBB2_5-.Ltmp7, $4  }
0xf2: {  	[spmem:s2] =	stream.indirect.scatter.add.f32 [tilespmem:s20], [sflag:$0x3], $0x80, s31, s17, $0xb8;
	[tilespmem:$0x1E400] =	vst v63  }
0xf3: {  	_ =	swait.ge [sflag:s15], $0x4000  }
0xf4: {  	[sflag:s15] =	ssyncset.done $0x0  }
0xf5: {  	s31 =	sadd.s32 $0x180, s0;
	[sflag:s15] =	ssyncadd.s32 $0xFFFFC000  }
.Ltmp8:
0xf6: {  	(pc) =	sbr.rel .LBB2_12-.Ltmp8, $3  }
0xf7: {  	_ =	sdelay $0x1  }
0xf8: {  	[tilespmem:s20], [sflag:$0x2] =	stream.indirect.gather [hbm4b:s5+s17], $0x80, s31, s17, $0xb8;
	[tilespmem:$0x1E400] =	vst v63  }
0xf9: {  	s30 =	smov.u32 s8  }
.LBB2_13:
0xfa: {  	_ =	sfence.sel $0x180000  }
0xfb: {  	[bflag:$0x0] =	sbarrier.arrive $0xFFFF  }
0xfc: {  	_ =	strace $0x90000047  }
0xfd: {  	[bflag:$0x2] =	sbarrier.arrive $0xFFFF  }
0xfe: {  	p0 =	sne.s32 s4, $0x0;
	s0 =	rddreg [dreg:$0x3]  }
0xff: {  	s0 =	sadd.s32 @!p0 $0x100000, s0  }
0x100: {  	[sflag:s0] =	ssyncadd.tile.s32 @!p0 $0x1;
	_ =	shalt  }
.Lfunc_end2:
_tile_overlayer_lowered:
.L_overlay_start_2:
0x101: {  	(tag) =	ssettag $0x2  }
0x102: {  	s0 =	rddreg [dreg:$0x0];
	s2 =	stileid.u32  }
0x103: {  	s1 =	rddreg [dreg:$0x1];
	p0 =	sne.s32 s2, $0x0  }
0x104: {  	s3 =	rddreg [dreg:$0x2];
	[bflag:$0x3] =	sbarrier.arrive $0xFFFF;
	s2 =	simm.s32 @!p0 $0x1C03  }
0x105: {  	[timem:s3], [sflag:s2] =	dma.local @!p0 [hbm:s0], s1  }
0x106: {  	s0 =	simm.s32 @!p0 $0x3  }
0x107: {  	_ =	swait.ge @!p0 [sflag:s0], s1  }
0x108: {  	s1 =	ssub.s32 @!p0 $0x0, s1;
	[sflag:s0] =	ssyncset.done @!p0 $0x0  }
0x109: {  	[sflag:s0] =	ssyncadd.s32 @!p0 s1  }
0x10a: {  	[bflag:$0x3] =	sbarrier.arrive $0xFFFF  }
0x10b: {  	_ =	shalt  }

</sc_bundles>
